<compile_context>
chip_gen: v7x
topology: tpu7x:2x2x1
jax: 0.10.2.dev20260603
libtpu: 0.0.44.dev20260713+nightly
codegen_flags: <defaults>
</compile_context>

<pallas_src>
import jax
import jax.numpy as jnp
from jax import lax
from jax.experimental import pallas as pl
from jax.experimental.pallas import tpu as pltpu
from jax.experimental.pallas import tpu_sc as plsc

D_MODEL = 1024
ROWS = 4 * 4096
NUM_SEG = 2
LANES = 16

NUM_CORES = 2
NUM_SUBCORES = 16
NUM_WORKERS = 32
ROWS_PER_W = ROWS // NUM_WORKERS
CHUNK_R = 16
NCHUNK = ROWS_PER_W // CHUNK_R
NBUF = 4


def _body(x_hbm, sid_hbm, emb_hbm, out_hbm, sid_v, emb_v, buf, sem_in,
          sem_out, sem_stage):
  wid = lax.axis_index("s") * NUM_CORES + lax.axis_index("c")
  base = wid * ROWS_PER_W

  def start_in(c, b):
    pltpu.async_copy(
        x_hbm.at[pl.ds(base + c * CHUNK_R, CHUNK_R), :], buf[b], sem_in[b])

  def wait_in(b):
    pltpu.make_async_copy(
        x_hbm.at[pl.ds(base, CHUNK_R), :], buf[b], sem_in[b]).wait()

  def start_out(c, b):
    pltpu.async_copy(
        buf[b], out_hbm.at[pl.ds(base + c * CHUNK_R, CHUNK_R), :],
        sem_out[b])

  def wait_out(b):
    pltpu.make_async_copy(
        buf[b], out_hbm.at[pl.ds(base, CHUNK_R), :], sem_out[b]).wait()

  def compute(c, b):
    xr = buf[b]
    crow = c * CHUNK_R

    def row_body(r, carry):
      sid_s = sid_v[pl.ds(crow + r, LANES)][0]
      off = sid_s * D_MODEL

      @plsc.parallel_loop(0, D_MODEL // LANES, step=1, unroll=16)
      def jbody(j):
        plsc.addupdate(xr.at[r, pl.ds(j * LANES, LANES)],
                       emb_v[pl.ds(off + j * LANES, LANES)])

      return carry

    lax.fori_loop(0, CHUNK_R, row_body, 0, unroll=False)

  for b in range(NBUF):
    start_in(b, b)

  h_emb = pltpu.async_copy(emb_hbm, emb_v, sem_stage)
  h_sid = pltpu.async_copy(sid_hbm.at[pl.ds(base, ROWS_PER_W)],
                           sid_v.at[pl.ds(0, ROWS_PER_W)], sem_stage)
  h_emb.wait()
  h_sid.wait()

  @pl.loop(0, NCHUNK, step=NBUF)
  def chunk_loop(g):
    for b in range(NBUF):
      c = g + b
      b2 = (b + 2) % NBUF

      @pl.when(jnp.logical_and(c >= 2, c + 2 < NCHUNK))
      def _():
        wait_out(b2)
        start_in(c + 2, b2)

      wait_in(b)
      compute(c, b)
      start_out(c, b)

  for b in range(NBUF):
    wait_out(b)


@jax.jit
def _run(x2, sid, emb):
  mesh = plsc.VectorSubcoreMesh(
      core_axis_name="c", subcore_axis_name="s",
      num_cores=NUM_CORES, num_subcores=NUM_SUBCORES)
  f = pl.kernel(
      _body,
      out_type=jax.ShapeDtypeStruct((ROWS, D_MODEL), jnp.float32),
      mesh=mesh,
      compiler_params=pltpu.CompilerParams(needs_layout_passes=False),
      scratch_types=[
          pltpu.VMEM((ROWS_PER_W + LANES,), jnp.int32),
          pltpu.VMEM((NUM_SEG * D_MODEL,), jnp.float32),
          [pltpu.VMEM((CHUNK_R, D_MODEL), jnp.float32) for _ in range(NBUF)],
          [pltpu.SemaphoreType.DMA for _ in range(NBUF)],
          [pltpu.SemaphoreType.DMA for _ in range(NBUF)],
          pltpu.SemaphoreType.DMA,
      ],
  )
  return f(x2, sid, emb)


def kernel(x, segment_ids, seg_emb):
  b, s, d = x.shape
  x2 = x.reshape(b * s, d)
  sid = segment_ids.reshape(b * s).astype(jnp.int32)
  out = _run(x2, sid, seg_emb.reshape(NUM_SEG * D_MODEL))
  return out.reshape(b, s, d)

# --- scband reference (transcript-rebuilt; emitter-appended) ---
"""Pipeline reference for scband-segment-embedding-33200097198694 (READ-ONLY COPY).

The authoritative reference and input builder live on the scoring server;
editing this copy changes nothing except your own understanding.
"""

import jax, jax.numpy as jnp
import numpy as np

D_MODEL = 1024
NUM_SEGMENTS = 2

def setup_inputs(seed: int = 0) -> dict:
    key = jax.random.key(seed)
    k_x, k_seg, k_emb = jax.random.split(key, 3)
    x = jax.random.normal(k_x, (4, 4096, D_MODEL), dtype=jnp.float32)
    segment_ids = jax.random.randint(k_seg, (4, 4096), 0, NUM_SEGMENTS, dtype=jnp.int64)
    seg_emb = jax.random.normal(k_emb, (NUM_SEGMENTS, D_MODEL), dtype=jnp.float32)
    return {"x": x, "segment_ids": segment_ids, "seg_emb": seg_emb}

def reference(x, segment_ids, seg_emb):
    # embedding lookup: gather rows of seg_emb by segment_ids, then add to x
    emb = jnp.take(seg_emb, segment_ids, axis=0)  # [B, S, d_model]
    return x + emb

if __name__ == "__main__":
    import jax
    _d = setup_inputs()
    print(jax.jit(kernel)(*tuple(_d.values())))

</pallas_src>

<mosaic_0001>
#map = affine_map<(d0, d1) -> (0, 0)>
#map1 = affine_map<(d0, d1) -> (0)>
module attributes {stable_mosaic.version = 14 : i64} {
  func.func @_body(%arg0: i32, %arg1: i32, %arg2: memref<16384x1024xf32, #tpu.memory_space<hbm>>, %arg3: memref<16384xi32, #tpu.memory_space<hbm>>, %arg4: memref<2048xf32, #tpu.memory_space<hbm>>, %arg5: memref<16384x1024xf32, #tpu.memory_space<hbm>>, %arg6: memref<528xi32, #tpu.memory_space<vmem>>, %arg7: memref<2048xf32, #tpu.memory_space<vmem>>, %arg8: memref<16x1024xf32, #tpu.memory_space<vmem>>, %arg9: memref<16x1024xf32, #tpu.memory_space<vmem>>, %arg10: memref<16x1024xf32, #tpu.memory_space<vmem>>, %arg11: memref<16x1024xf32, #tpu.memory_space<vmem>>, %arg12: memref<!tpu.dma_semaphore, #tpu.memory_space<semaphore_mem>>, %arg13: memref<!tpu.dma_semaphore, #tpu.memory_space<semaphore_mem>>, %arg14: memref<!tpu.dma_semaphore, #tpu.memory_space<semaphore_mem>>, %arg15: memref<!tpu.dma_semaphore, #tpu.memory_space<semaphore_mem>>, %arg16: memref<!tpu.dma_semaphore, #tpu.memory_space<semaphore_mem>>, %arg17: memref<!tpu.dma_semaphore, #tpu.memory_space<semaphore_mem>>, %arg18: memref<!tpu.dma_semaphore, #tpu.memory_space<semaphore_mem>>, %arg19: memref<!tpu.dma_semaphore, #tpu.memory_space<semaphore_mem>>, %arg20: memref<!tpu.dma_semaphore, #tpu.memory_space<semaphore_mem>>) attributes {dimension_semantics = [#tpu.dimension_semantics<core_parallel>, #tpu.dimension_semantics<subcore_parallel>], iteration_bounds = array<i64: 2, 16>, scalar_prefetch = 0 : i64, scratch_operands = 15 : i64, tpu.core_type = #tpu.core_type<sc_vector_subcore>, window_params = [{transform_indices = #map}, {transform_indices = #map1}, {transform_indices = #map1}, {transform_indices = #map}]} {
    %mul3A = arith.constant 2 : i32
    %mul3A_0 = arith.muli %arg1, %mul3A : i32
    %add3A = arith.addi %mul3A_0, %arg0 : i32
    %mul3A_1 = arith.constant 512 : i32
    %mul3A_2 = arith.muli %add3A, %mul3A_1 : i32
    %add3A_3 = arith.constant 0 : i32
    %add3A_4 = arith.addi %mul3A_2, %add3A_3 : i32
    %dma_start3A = arith.constant 0 : i32
    %dma_start3A_5 = tpu.memref_slice %arg2[%add3A_4, %dma_start3A] : memref<16384x1024xf32, #tpu.memory_space<hbm>> -> memref<16x1024xf32, #tpu.memory_space<hbm>>
    %dma_start3A_6 = arith.constant 0 : i32
    %dma_start3A_7 = tpu.memref_slice %arg2[%add3A_4, %dma_start3A_6] : memref<16384x1024xf32, #tpu.memory_space<hbm>> -> memref<16x1024xf32, #tpu.memory_space<hbm>>
    tpu.enqueue_dma source(%dma_start3A_7 : memref<16x1024xf32, #tpu.memory_space<hbm>>) target(%arg8 : memref<16x1024xf32, #tpu.memory_space<vmem>>) target_semaphore(%arg12 : memref<!tpu.dma_semaphore, #tpu.memory_space<semaphore_mem>>)
    %add3A_8 = arith.constant 16 : i32
    %add3A_9 = arith.addi %mul3A_2, %add3A_8 : i32
    %dma_start3A_10 = arith.constant 0 : i32
    %dma_start3A_11 = tpu.memref_slice %arg2[%add3A_9, %dma_start3A_10] : memref<16384x1024xf32, #tpu.memory_space<hbm>> -> memref<16x1024xf32, #tpu.memory_space<hbm>>
    %dma_start3A_12 = arith.constant 0 : i32
    %dma_start3A_13 = tpu.memref_slice %arg2[%add3A_9, %dma_start3A_12] : memref<16384x1024xf32, #tpu.memory_space<hbm>> -> memref<16x1024xf32, #tpu.memory_space<hbm>>
    tpu.enqueue_dma source(%dma_start3A_13 : memref<16x1024xf32, #tpu.memory_space<hbm>>) target(%arg9 : memref<16x1024xf32, #tpu.memory_space<vmem>>) target_semaphore(%arg13 : memref<!tpu.dma_semaphore, #tpu.memory_space<semaphore_mem>>)
    %add3A_14 = arith.constant 32 : i32
    %add3A_15 = arith.addi %mul3A_2, %add3A_14 : i32
    %dma_start3A_16 = arith.constant 0 : i32
    %dma_start3A_17 = tpu.memref_slice %arg2[%add3A_15, %dma_start3A_16] : memref<16384x1024xf32, #tpu.memory_space<hbm>> -> memref<16x1024xf32, #tpu.memory_space<hbm>>
    %dma_start3A_18 = arith.constant 0 : i32
    %dma_start3A_19 = tpu.memref_slice %arg2[%add3A_15, %dma_start3A_18] : memref<16384x1024xf32, #tpu.memory_space<hbm>> -> memref<16x1024xf32, #tpu.memory_space<hbm>>
    tpu.enqueue_dma source(%dma_start3A_19 : memref<16x1024xf32, #tpu.memory_space<hbm>>) target(%arg10 : memref<16x1024xf32, #tpu.memory_space<vmem>>) target_semaphore(%arg14 : memref<!tpu.dma_semaphore, #tpu.memory_space<semaphore_mem>>)
    %add3A_20 = arith.constant 48 : i32
    %add3A_21 = arith.addi %mul3A_2, %add3A_20 : i32
    %dma_start3A_22 = arith.constant 0 : i32
    %dma_start3A_23 = tpu.memref_slice %arg2[%add3A_21, %dma_start3A_22] : memref<16384x1024xf32, #tpu.memory_space<hbm>> -> memref<16x1024xf32, #tpu.memory_space<hbm>>
    %dma_start3A_24 = arith.constant 0 : i32
    %dma_start3A_25 = tpu.memref_slice %arg2[%add3A_21, %dma_start3A_24] : memref<16384x1024xf32, #tpu.memory_space<hbm>> -> memref<16x1024xf32, #tpu.memory_space<hbm>>
    tpu.enqueue_dma source(%dma_start3A_25 : memref<16x1024xf32, #tpu.memory_space<hbm>>) target(%arg11 : memref<16x1024xf32, #tpu.memory_space<vmem>>) target_semaphore(%arg15 : memref<!tpu.dma_semaphore, #tpu.memory_space<semaphore_mem>>)
    tpu.enqueue_dma source(%arg4 : memref<2048xf32, #tpu.memory_space<hbm>>) target(%arg7 : memref<2048xf32, #tpu.memory_space<vmem>>) target_semaphore(%arg20 : memref<!tpu.dma_semaphore, #tpu.memory_space<semaphore_mem>>)
    %dma_start3A_26 = arith.constant 0 : i32
    %dma_start3A_27 = tpu.memref_slice %arg6[%dma_start3A_26] : memref<528xi32, #tpu.memory_space<vmem>> -> memref<512xi32, #tpu.memory_space<vmem>>
    %dma_start3A_28 = tpu.memref_slice %arg3[%mul3A_2] : memref<16384xi32, #tpu.memory_space<hbm>> -> memref<512xi32, #tpu.memory_space<hbm>>
    %dma_start3A_29 = arith.constant 0 : i32
    %dma_start3A_30 = tpu.memref_slice %arg6[%dma_start3A_29] : memref<528xi32, #tpu.memory_space<vmem>> -> memref<512xi32, #tpu.memory_space<vmem>>
    %dma_start3A_31 = tpu.memref_slice %arg3[%mul3A_2] : memref<16384xi32, #tpu.memory_space<hbm>> -> memref<512xi32, #tpu.memory_space<hbm>>
    tpu.enqueue_dma source(%dma_start3A_31 : memref<512xi32, #tpu.memory_space<hbm>>) target(%dma_start3A_30 : memref<512xi32, #tpu.memory_space<vmem>>) target_semaphore(%arg20 : memref<!tpu.dma_semaphore, #tpu.memory_space<semaphore_mem>>)
    tpu.wait_dma2 semaphore(%arg20 : memref<!tpu.dma_semaphore, #tpu.memory_space<semaphore_mem>>) src(%arg4 : memref<2048xf32, #tpu.memory_space<hbm>>) dst(%arg7 : memref<2048xf32, #tpu.memory_space<vmem>>)
    %dma_wait3A = arith.constant 0 : i32
    %dma_wait3A_32 = tpu.memref_slice %arg6[%dma_wait3A] : memref<528xi32, #tpu.memory_space<vmem>> -> memref<512xi32, #tpu.memory_space<vmem>>
    %dma_wait3A_33 = tpu.memref_slice %arg3[%mul3A_2] : memref<16384xi32, #tpu.memory_space<hbm>> -> memref<512xi32, #tpu.memory_space<hbm>>
    %dma_wait3A_34 = arith.constant 0 : i32
    %dma_wait3A_35 = tpu.memref_slice %arg6[%dma_wait3A_34] : memref<528xi32, #tpu.memory_space<vmem>> -> memref<512xi32, #tpu.memory_space<vmem>>
    %dma_wait3A_36 = tpu.memref_slice %arg3[%mul3A_2] : memref<16384xi32, #tpu.memory_space<hbm>> -> memref<512xi32, #tpu.memory_space<hbm>>
    tpu.wait_dma2 semaphore(%arg20 : memref<!tpu.dma_semaphore, #tpu.memory_space<semaphore_mem>>) src(%dma_wait3A_36 : memref<512xi32, #tpu.memory_space<hbm>>) dst(%dma_wait3A_35 : memref<512xi32, #tpu.memory_space<vmem>>)
    %scan3A = arith.constant 0 : i32
    %scan3A_37 = arith.constant 8 : i32
    %scan3A_38 = arith.addi %scan3A, %scan3A_37 : i32
    %scan3A_39 = arith.constant 1 : i32
    scf.for %scan3A_57 = %scan3A to %scan3A_38 step %scan3A_39  : i32 {
      %mul3A_58 = arith.constant 4 : i32
      %mul3A_59 = arith.muli %scan3A_57, %mul3A_58 : i32
      %add3A_60 = arith.constant 0 : i32
      %add3A_61 = arith.addi %add3A_60, %mul3A_59 : i32
      %add3A_62 = arith.constant 0 : i32
      %add3A_63 = arith.addi %add3A_61, %add3A_62 : i32
      %ge3A = arith.constant 2 : i32
      %ge3A_64 = arith.cmpi sge, %add3A_63, %ge3A : i32
      %add3A_65 = arith.constant 2 : i32
      %add3A_66 = arith.addi %add3A_63, %add3A_65 : i32
      %lt3A = arith.constant 32 : i32
      %lt3A_67 = arith.cmpi slt, %add3A_66, %lt3A : i32
      %and3A = arith.andi %ge3A_64, %lt3A_67 : i1
      %convert_element_type3A = arith.extui %and3A : i1 to i32
      %cond3A = arith.constant 0 : i32
      %cond3A_68 = arith.cmpi ne, %convert_element_type3A, %cond3A : i32
      scf.if %cond3A_68 {
        %dma_wait3A_181 = arith.constant 0 : i32
        %dma_wait3A_182 = tpu.memref_slice %arg5[%mul3A_2, %dma_wait3A_181] : memref<16384x1024xf32, #tpu.memory_space<hbm>> -> memref<16x1024xf32, #tpu.memory_space<hbm>>
        %dma_wait3A_183 = arith.constant 0 : i32
        %dma_wait3A_184 = tpu.memref_slice %arg5[%mul3A_2, %dma_wait3A_183] : memref<16384x1024xf32, #tpu.memory_space<hbm>> -> memref<16x1024xf32, #tpu.memory_space<hbm>>
        tpu.wait_dma2 semaphore(%arg18 : memref<!tpu.dma_semaphore, #tpu.memory_space<semaphore_mem>>) src(%arg10 : memref<16x1024xf32, #tpu.memory_space<vmem>>) dst(%dma_wait3A_184 : memref<16x1024xf32, #tpu.memory_space<hbm>>)
        %add3A_185 = arith.constant 2 : i32
        %add3A_186 = arith.addi %add3A_63, %add3A_185 : i32
        %mul3A_187 = arith.constant 16 : i32
        %mul3A_188 = arith.muli %add3A_186, %mul3A_187 : i32
        %add3A_189 = arith.addi %mul3A_2, %mul3A_188 : i32
        %dma_start3A_190 = arith.constant 0 : i32
        %dma_start3A_191 = tpu.memref_slice %arg2[%add3A_189, %dma_start3A_190] : memref<16384x1024xf32, #tpu.memory_space<hbm>> -> memref<16x1024xf32, #tpu.memory_space<hbm>>
        %dma_start3A_192 = arith.constant 0 : i32
        %dma_start3A_193 = tpu.memref_slice %arg2[%add3A_189, %dma_start3A_192] : memref<16384x1024xf32, #tpu.memory_space<hbm>> -> memref<16x1024xf32, #tpu.memory_space<hbm>>
        tpu.enqueue_dma source(%dma_start3A_193 : memref<16x1024xf32, #tpu.memory_space<hbm>>) target(%arg10 : memref<16x1024xf32, #tpu.memory_space<vmem>>) target_semaphore(%arg14 : memref<!tpu.dma_semaphore, #tpu.memory_space<semaphore_mem>>)
      } else {
      }
      %dma_wait3A_69 = arith.constant 0 : i32
      %dma_wait3A_70 = tpu.memref_slice %arg2[%mul3A_2, %dma_wait3A_69] : memref<16384x1024xf32, #tpu.memory_space<hbm>> -> memref<16x1024xf32, #tpu.memory_space<hbm>>
      %dma_wait3A_71 = arith.constant 0 : i32
      %dma_wait3A_72 = tpu.memref_slice %arg2[%mul3A_2, %dma_wait3A_71] : memref<16384x1024xf32, #tpu.memory_space<hbm>> -> memref<16x1024xf32, #tpu.memory_space<hbm>>
      tpu.wait_dma2 semaphore(%arg12 : memref<!tpu.dma_semaphore, #tpu.memory_space<semaphore_mem>>) src(%dma_wait3A_72 : memref<16x1024xf32, #tpu.memory_space<hbm>>) dst(%arg8 : memref<16x1024xf32, #tpu.memory_space<vmem>>)
      %mul3A_73 = arith.constant 16 : i32
      %mul3A_74 = arith.muli %add3A_63, %mul3A_73 : i32
      %scan3A_75 = arith.constant 0 : i32
      %scan3A_76 = arith.constant 0 : i32
      %scan3A_77 = arith.constant 16 : i32
      %scan3A_78 = arith.addi %scan3A_76, %scan3A_77 : i32
      %scan3A_79 = arith.constant 1 : i32
      scf.for %scan3A_181 = %scan3A_76 to %scan3A_78 step %scan3A_79  : i32 {
        %add3A_182 = arith.addi %mul3A_74, %scan3A_181 : i32
        %get3A = arith.index_cast %add3A_182 : i32 to index
        %get3A_183 = tpu.vector_load %arg6[%get3A] {strides = array<i32>} : memref<528xi32, #tpu.memory_space<vmem>>, vector<16xi32>,
        %slice3A = vector.extract_strided_slice %get3A_183 {offsets = [0], sizes = [1], strides = [1]} : vector<16xi32> to vector<1xi32>
        %squeeze3A = vector.extract %slice3A[0] : i32 from vector<1xi32>
        %mul3A_184 = arith.constant 1024 : i32
        %mul3A_185 = arith.muli %squeeze3A, %mul3A_184 : i32
        %parallel_loop3A = arith.constant 0 : i32
        %parallel_loop3A_186 = arith.constant 64 : i32
        %parallel_loop3A_187 = arith.constant 1 : i32
        scf.for %parallel_loop3A_188 = %parallel_loop3A to %parallel_loop3A_186 step %parallel_loop3A_187  : i32 {
          %parallel_loop3A_189 = arith.constant 16 : i32
          %parallel_loop3A_190 = arith.muli %parallel_loop3A_188, %parallel_loop3A_189 : i32
          %parallel_loop3A_191 = arith.constant 16 : i32
          %parallel_loop3A_192 = arith.muli %parallel_loop3A_188, %parallel_loop3A_191 : i32
          %parallel_loop3A_193 = arith.addi %mul3A_185, %parallel_loop3A_192 : i32
          %parallel_loop3A_194 = arith.index_cast %parallel_loop3A_193 : i32 to index
          %parallel_loop3A_195 = tpu.vector_load %arg7[%parallel_loop3A_194] {strides = array<i32>} : memref<2048xf32, #tpu.memory_space<vmem>>, vector<16xf32>,
          %parallel_loop3A_196 = arith.index_cast %scan3A_181 : i32 to index
          %parallel_loop3A_197 = arith.index_cast %parallel_loop3A_190 : i32 to index
          %parallel_loop3A_198 = tpu.vector_load %arg8[%parallel_loop3A_196, %parallel_loop3A_197] {strides = array<i32>} : memref<16x1024xf32, #tpu.memory_space<vmem>>, vector<16xf32>,
          tpu.vector_store %arg8[%parallel_loop3A_196, %parallel_loop3A_197], %parallel_loop3A_195 {add = true, strides = array<i32>} : memref<16x1024xf32, #tpu.memory_space<vmem>>, vector<16xf32>,
        } {sc.loop_unroll_factor = 16 : i64, sc.parallel_access}
      }
      %scan3A_80 = arith.constant 16 : i32
      %mul3A_81 = arith.constant 16 : i32
      %mul3A_82 = arith.muli %add3A_63, %mul3A_81 : i32
      %add3A_83 = arith.addi %mul3A_2, %mul3A_82 : i32
      %dma_start3A_84 = arith.constant 0 : i32
      %dma_start3A_85 = tpu.memref_slice %arg5[%add3A_83, %dma_start3A_84] : memref<16384x1024xf32, #tpu.memory_space<hbm>> -> memref<16x1024xf32, #tpu.memory_space<hbm>>
      %dma_start3A_86 = arith.constant 0 : i32
      %dma_start3A_87 = tpu.memref_slice %arg5[%add3A_83, %dma_start3A_86] : memref<16384x1024xf32, #tpu.memory_space<hbm>> -> memref<16x1024xf32, #tpu.memory_space<hbm>>
      tpu.enqueue_dma source(%arg8 : memref<16x1024xf32, #tpu.memory_space<vmem>>) target(%dma_start3A_87 : memref<16x1024xf32, #tpu.memory_space<hbm>>) target_semaphore(%arg16 : memref<!tpu.dma_semaphore, #tpu.memory_space<semaphore_mem>>)
      %add3A_88 = arith.constant 1 : i32
      %add3A_89 = arith.addi %add3A_61, %add3A_88 : i32
      %ge3A_90 = arith.constant 2 : i32
      %ge3A_91 = arith.cmpi sge, %add3A_89, %ge3A_90 : i32
      %add3A_92 = arith.constant 2 : i32
      %add3A_93 = arith.addi %add3A_89, %add3A_92 : i32
      %lt3A_94 = arith.constant 32 : i32
      %lt3A_95 = arith.cmpi slt, %add3A_93, %lt3A_94 : i32
      %and3A_96 = arith.andi %ge3A_91, %lt3A_95 : i1
      %convert_element_type3A_97 = arith.extui %and3A_96 : i1 to i32
      %cond3A_98 = arith.constant 0 : i32
      %cond3A_99 = arith.cmpi ne, %convert_element_type3A_97, %cond3A_98 : i32
      scf.if %cond3A_99 {
        %dma_wait3A_181 = arith.constant 0 : i32
        %dma_wait3A_182 = tpu.memref_slice %arg5[%mul3A_2, %dma_wait3A_181] : memref<16384x1024xf32, #tpu.memory_space<hbm>> -> memref<16x1024xf32, #tpu.memory_space<hbm>>
        %dma_wait3A_183 = arith.constant 0 : i32
        %dma_wait3A_184 = tpu.memref_slice %arg5[%mul3A_2, %dma_wait3A_183] : memref<16384x1024xf32, #tpu.memory_space<hbm>> -> memref<16x1024xf32, #tpu.memory_space<hbm>>
        tpu.wait_dma2 semaphore(%arg19 : memref<!tpu.dma_semaphore, #tpu.memory_space<semaphore_mem>>) src(%arg11 : memref<16x1024xf32, #tpu.memory_space<vmem>>) dst(%dma_wait3A_184 : memref<16x1024xf32, #tpu.memory_space<hbm>>)
        %add3A_185 = arith.constant 2 : i32
        %add3A_186 = arith.addi %add3A_89, %add3A_185 : i32
        %mul3A_187 = arith.constant 16 : i32
        %mul3A_188 = arith.muli %add3A_186, %mul3A_187 : i32
        %add3A_189 = arith.addi %mul3A_2, %mul3A_188 : i32
        %dma_start3A_190 = arith.constant 0 : i32
        %dma_start3A_191 = tpu.memref_slice %arg2[%add3A_189, %dma_start3A_190] : memref<16384x1024xf32, #tpu.memory_space<hbm>> -> memref<16x1024xf32, #tpu.memory_space<hbm>>
        %dma_start3A_192 = arith.constant 0 : i32
        %dma_start3A_193 = tpu.memref_slice %arg2[%add3A_189, %dma_start3A_192] : memref<16384x1024xf32, #tpu.memory_space<hbm>> -> memref<16x1024xf32, #tpu.memory_space<hbm>>
        tpu.enqueue_dma source(%dma_start3A_193 : memref<16x1024xf32, #tpu.memory_space<hbm>>) target(%arg11 : memref<16x1024xf32, #tpu.memory_space<vmem>>) target_semaphore(%arg15 : memref<!tpu.dma_semaphore, #tpu.memory_space<semaphore_mem>>)
      } else {
      }
      %dma_wait3A_100 = arith.constant 0 : i32
      %dma_wait3A_101 = tpu.memref_slice %arg2[%mul3A_2, %dma_wait3A_100] : memref<16384x1024xf32, #tpu.memory_space<hbm>> -> memref<16x1024xf32, #tpu.memory_space<hbm>>
      %dma_wait3A_102 = arith.constant 0 : i32
      %dma_wait3A_103 = tpu.memref_slice %arg2[%mul3A_2, %dma_wait3A_102] : memref<16384x1024xf32, #tpu.memory_space<hbm>> -> memref<16x1024xf32, #tpu.memory_space<hbm>>
      tpu.wait_dma2 semaphore(%arg13 : memref<!tpu.dma_semaphore, #tpu.memory_space<semaphore_mem>>) src(%dma_wait3A_103 : memref<16x1024xf32, #tpu.memory_space<hbm>>) dst(%arg9 : memref<16x1024xf32, #tpu.memory_space<vmem>>)
      %mul3A_104 = arith.constant 16 : i32
      %mul3A_105 = arith.muli %add3A_89, %mul3A_104 : i32
      %scan3A_106 = arith.constant 0 : i32
      %scan3A_107 = arith.constant 0 : i32
      %scan3A_108 = arith.constant 16 : i32
      %scan3A_109 = arith.addi %scan3A_107, %scan3A_108 : i32
      %scan3A_110 = arith.constant 1 : i32
      scf.for %scan3A_181 = %scan3A_107 to %scan3A_109 step %scan3A_110  : i32 {
        %add3A_182 = arith.addi %mul3A_105, %scan3A_181 : i32
        %get3A = arith.index_cast %add3A_182 : i32 to index
        %get3A_183 = tpu.vector_load %arg6[%get3A] {strides = array<i32>} : memref<528xi32, #tpu.memory_space<vmem>>, vector<16xi32>,
        %slice3A = vector.extract_strided_slice %get3A_183 {offsets = [0], sizes = [1], strides = [1]} : vector<16xi32> to vector<1xi32>
        %squeeze3A = vector.extract %slice3A[0] : i32 from vector<1xi32>
        %mul3A_184 = arith.constant 1024 : i32
        %mul3A_185 = arith.muli %squeeze3A, %mul3A_184 : i32
        %parallel_loop3A = arith.constant 0 : i32
        %parallel_loop3A_186 = arith.constant 64 : i32
        %parallel_loop3A_187 = arith.constant 1 : i32
        scf.for %parallel_loop3A_188 = %parallel_loop3A to %parallel_loop3A_186 step %parallel_loop3A_187  : i32 {
          %parallel_loop3A_189 = arith.constant 16 : i32
          %parallel_loop3A_190 = arith.muli %parallel_loop3A_188, %parallel_loop3A_189 : i32
          %parallel_loop3A_191 = arith.constant 16 : i32
          %parallel_loop3A_192 = arith.muli %parallel_loop3A_188, %parallel_loop3A_191 : i32
          %parallel_loop3A_193 = arith.addi %mul3A_185, %parallel_loop3A_192 : i32
          %parallel_loop3A_194 = arith.index_cast %parallel_loop3A_193 : i32 to index
          %parallel_loop3A_195 = tpu.vector_load %arg7[%parallel_loop3A_194] {strides = array<i32>} : memref<2048xf32, #tpu.memory_space<vmem>>, vector<16xf32>,
          %parallel_loop3A_196 = arith.index_cast %scan3A_181 : i32 to index
          %parallel_loop3A_197 = arith.index_cast %parallel_loop3A_190 : i32 to index
          %parallel_loop3A_198 = tpu.vector_load %arg9[%parallel_loop3A_196, %parallel_loop3A_197] {strides = array<i32>} : memref<16x1024xf32, #tpu.memory_space<vmem>>, vector<16xf32>,
          tpu.vector_store %arg9[%parallel_loop3A_196, %parallel_loop3A_197], %parallel_loop3A_195 {add = true, strides = array<i32>} : memref<16x1024xf32, #tpu.memory_space<vmem>>, vector<16xf32>,
        } {sc.loop_unroll_factor = 16 : i64, sc.parallel_access}
      }
      %scan3A_111 = arith.constant 16 : i32
      %mul3A_112 = arith.constant 16 : i32
      %mul3A_113 = arith.muli %add3A_89, %mul3A_112 : i32
      %add3A_114 = arith.addi %mul3A_2, %mul3A_113 : i32
      %dma_start3A_115 = arith.constant 0 : i32
      %dma_start3A_116 = tpu.memref_slice %arg5[%add3A_114, %dma_start3A_115] : memref<16384x1024xf32, #tpu.memory_space<hbm>> -> memref<16x1024xf32, #tpu.memory_space<hbm>>
      %dma_start3A_117 = arith.constant 0 : i32
      %dma_start3A_118 = tpu.memref_slice %arg5[%add3A_114, %dma_start3A_117] : memref<16384x1024xf32, #tpu.memory_space<hbm>> -> memref<16x1024xf32, #tpu.memory_space<hbm>>
      tpu.enqueue_dma source(%arg9 : memref<16x1024xf32, #tpu.memory_space<vmem>>) target(%dma_start3A_118 : memref<16x1024xf32, #tpu.memory_space<hbm>>) target_semaphore(%arg17 : memref<!tpu.dma_semaphore, #tpu.memory_space<semaphore_mem>>)
      %add3A_119 = arith.constant 2 : i32
      %add3A_120 = arith.addi %add3A_61, %add3A_119 : i32
      %ge3A_121 = arith.constant 2 : i32
      %ge3A_122 = arith.cmpi sge, %add3A_120, %ge3A_121 : i32
      %add3A_123 = arith.constant 2 : i32
      %add3A_124 = arith.addi %add3A_120, %add3A_123 : i32
      %lt3A_125 = arith.constant 32 : i32
      %lt3A_126 = arith.cmpi slt, %add3A_124, %lt3A_125 : i32
      %and3A_127 = arith.andi %ge3A_122, %lt3A_126 : i1
      %convert_element_type3A_128 = arith.extui %and3A_127 : i1 to i32
      %cond3A_129 = arith.constant 0 : i32
      %cond3A_130 = arith.cmpi ne, %convert_element_type3A_128, %cond3A_129 : i32
      scf.if %cond3A_130 {
        %dma_wait3A_181 = arith.constant 0 : i32
        %dma_wait3A_182 = tpu.memref_slice %arg5[%mul3A_2, %dma_wait3A_181] : memref<16384x1024xf32, #tpu.memory_space<hbm>> -> memref<16x1024xf32, #tpu.memory_space<hbm>>
        %dma_wait3A_183 = arith.constant 0 : i32
        %dma_wait3A_184 = tpu.memref_slice %arg5[%mul3A_2, %dma_wait3A_183] : memref<16384x1024xf32, #tpu.memory_space<hbm>> -> memref<16x1024xf32, #tpu.memory_space<hbm>>
        tpu.wait_dma2 semaphore(%arg16 : memref<!tpu.dma_semaphore, #tpu.memory_space<semaphore_mem>>) src(%arg8 : memref<16x1024xf32, #tpu.memory_space<vmem>>) dst(%dma_wait3A_184 : memref<16x1024xf32, #tpu.memory_space<hbm>>)
        %add3A_185 = arith.constant 2 : i32
        %add3A_186 = arith.addi %add3A_120, %add3A_185 : i32
        %mul3A_187 = arith.constant 16 : i32
        %mul3A_188 = arith.muli %add3A_186, %mul3A_187 : i32
        %add3A_189 = arith.addi %mul3A_2, %mul3A_188 : i32
        %dma_start3A_190 = arith.constant 0 : i32
        %dma_start3A_191 = tpu.memref_slice %arg2[%add3A_189, %dma_start3A_190] : memref<16384x1024xf32, #tpu.memory_space<hbm>> -> memref<16x1024xf32, #tpu.memory_space<hbm>>
        %dma_start3A_192 = arith.constant 0 : i32
        %dma_start3A_193 = tpu.memref_slice %arg2[%add3A_189, %dma_start3A_192] : memref<16384x1024xf32, #tpu.memory_space<hbm>> -> memref<16x1024xf32, #tpu.memory_space<hbm>>
        tpu.enqueue_dma source(%dma_start3A_193 : memref<16x1024xf32, #tpu.memory_space<hbm>>) target(%arg8 : memref<16x1024xf32, #tpu.memory_space<vmem>>) target_semaphore(%arg12 : memref<!tpu.dma_semaphore, #tpu.memory_space<semaphore_mem>>)
      } else {
      }
      %dma_wait3A_131 = arith.constant 0 : i32
      %dma_wait3A_132 = tpu.memref_slice %arg2[%mul3A_2, %dma_wait3A_131] : memref<16384x1024xf32, #tpu.memory_space<hbm>> -> memref<16x1024xf32, #tpu.memory_space<hbm>>
      %dma_wait3A_133 = arith.constant 0 : i32
      %dma_wait3A_134 = tpu.memref_slice %arg2[%mul3A_2, %dma_wait3A_133] : memref<16384x1024xf32, #tpu.memory_space<hbm>> -> memref<16x1024xf32, #tpu.memory_space<hbm>>
      tpu.wait_dma2 semaphore(%arg14 : memref<!tpu.dma_semaphore, #tpu.memory_space<semaphore_mem>>) src(%dma_wait3A_134 : memref<16x1024xf32, #tpu.memory_space<hbm>>) dst(%arg10 : memref<16x1024xf32, #tpu.memory_space<vmem>>)
      %mul3A_135 = arith.constant 16 : i32
      %mul3A_136 = arith.muli %add3A_120, %mul3A_135 : i32
      %scan3A_137 = arith.constant 0 : i32
      %scan3A_138 = arith.constant 0 : i32
      %scan3A_139 = arith.constant 16 : i32
      %scan3A_140 = arith.addi %scan3A_138, %scan3A_139 : i32
      %scan3A_141 = arith.constant 1 : i32
      scf.for %scan3A_181 = %scan3A_138 to %scan3A_140 step %scan3A_141  : i32 {
        %add3A_182 = arith.addi %mul3A_136, %scan3A_181 : i32
        %get3A = arith.index_cast %add3A_182 : i32 to index
        %get3A_183 = tpu.vector_load %arg6[%get3A] {strides = array<i32>} : memref<528xi32, #tpu.memory_space<vmem>>, vector<16xi32>,
        %slice3A = vector.extract_strided_slice %get3A_183 {offsets = [0], sizes = [1], strides = [1]} : vector<16xi32> to vector<1xi32>
        %squeeze3A = vector.extract %slice3A[0] : i32 from vector<1xi32>
        %mul3A_184 = arith.constant 1024 : i32
        %mul3A_185 = arith.muli %squeeze3A, %mul3A_184 : i32
        %parallel_loop3A = arith.constant 0 : i32
        %parallel_loop3A_186 = arith.constant 64 : i32
        %parallel_loop3A_187 = arith.constant 1 : i32
        scf.for %parallel_loop3A_188 = %parallel_loop3A to %parallel_loop3A_186 step %parallel_loop3A_187  : i32 {
          %parallel_loop3A_189 = arith.constant 16 : i32
          %parallel_loop3A_190 = arith.muli %parallel_loop3A_188, %parallel_loop3A_189 : i32
          %parallel_loop3A_191 = arith.constant 16 : i32
          %parallel_loop3A_192 = arith.muli %parallel_loop3A_188, %parallel_loop3A_191 : i32
          %parallel_loop3A_193 = arith.addi %mul3A_185, %parallel_loop3A_192 : i32
          %parallel_loop3A_194 = arith.index_cast %parallel_loop3A_193 : i32 to index
          %parallel_loop3A_195 = tpu.vector_load %arg7[%parallel_loop3A_194] {strides = array<i32>} : memref<2048xf32, #tpu.memory_space<vmem>>, vector<16xf32>,
          %parallel_loop3A_196 = arith.index_cast %scan3A_181 : i32 to index
          %parallel_loop3A_197 = arith.index_cast %parallel_loop3A_190 : i32 to index
          %parallel_loop3A_198 = tpu.vector_load %arg10[%parallel_loop3A_196, %parallel_loop3A_197] {strides = array<i32>} : memref<16x1024xf32, #tpu.memory_space<vmem>>, vector<16xf32>,
          tpu.vector_store %arg10[%parallel_loop3A_196, %parallel_loop3A_197], %parallel_loop3A_195 {add = true, strides = array<i32>} : memref<16x1024xf32, #tpu.memory_space<vmem>>, vector<16xf32>,
        } {sc.loop_unroll_factor = 16 : i64, sc.parallel_access}
      }
      %scan3A_142 = arith.constant 16 : i32
      %mul3A_143 = arith.constant 16 : i32
      %mul3A_144 = arith.muli %add3A_120, %mul3A_143 : i32
      %add3A_145 = arith.addi %mul3A_2, %mul3A_144 : i32
      %dma_start3A_146 = arith.constant 0 : i32
      %dma_start3A_147 = tpu.memref_slice %arg5[%add3A_145, %dma_start3A_146] : memref<16384x1024xf32, #tpu.memory_space<hbm>> -> memref<16x1024xf32, #tpu.memory_space<hbm>>
      %dma_start3A_148 = arith.constant 0 : i32
      %dma_start3A_149 = tpu.memref_slice %arg5[%add3A_145, %dma_start3A_148] : memref<16384x1024xf32, #tpu.memory_space<hbm>> -> memref<16x1024xf32, #tpu.memory_space<hbm>>
      tpu.enqueue_dma source(%arg10 : memref<16x1024xf32, #tpu.memory_space<vmem>>) target(%dma_start3A_149 : memref<16x1024xf32, #tpu.memory_space<hbm>>) target_semaphore(%arg18 : memref<!tpu.dma_semaphore, #tpu.memory_space<semaphore_mem>>)
      %add3A_150 = arith.constant 3 : i32
      %add3A_151 = arith.addi %add3A_61, %add3A_150 : i32
      %ge3A_152 = arith.constant 2 : i32
      %ge3A_153 = arith.cmpi sge, %add3A_151, %ge3A_152 : i32
      %add3A_154 = arith.constant 2 : i32
      %add3A_155 = arith.addi %add3A_151, %add3A_154 : i32
      %lt3A_156 = arith.constant 32 : i32
      %lt3A_157 = arith.cmpi slt, %add3A_155, %lt3A_156 : i32
      %and3A_158 = arith.andi %ge3A_153, %lt3A_157 : i1
      %convert_element_type3A_159 = arith.extui %and3A_158 : i1 to i32
      %cond3A_160 = arith.constant 0 : i32
      %cond3A_161 = arith.cmpi ne, %convert_element_type3A_159, %cond3A_160 : i32
      scf.if %cond3A_161 {
        %dma_wait3A_181 = arith.constant 0 : i32
        %dma_wait3A_182 = tpu.memref_slice %arg5[%mul3A_2, %dma_wait3A_181] : memref<16384x1024xf32, #tpu.memory_space<hbm>> -> memref<16x1024xf32, #tpu.memory_space<hbm>>
        %dma_wait3A_183 = arith.constant 0 : i32
        %dma_wait3A_184 = tpu.memref_slice %arg5[%mul3A_2, %dma_wait3A_183] : memref<16384x1024xf32, #tpu.memory_space<hbm>> -> memref<16x1024xf32, #tpu.memory_space<hbm>>
        tpu.wait_dma2 semaphore(%arg17 : memref<!tpu.dma_semaphore, #tpu.memory_space<semaphore_mem>>) src(%arg9 : memref<16x1024xf32, #tpu.memory_space<vmem>>) dst(%dma_wait3A_184 : memref<16x1024xf32, #tpu.memory_space<hbm>>)
        %add3A_185 = arith.constant 2 : i32
        %add3A_186 = arith.addi %add3A_151, %add3A_185 : i32
        %mul3A_187 = arith.constant 16 : i32
        %mul3A_188 = arith.muli %add3A_186, %mul3A_187 : i32
        %add3A_189 = arith.addi %mul3A_2, %mul3A_188 : i32
        %dma_start3A_190 = arith.constant 0 : i32
        %dma_start3A_191 = tpu.memref_slice %arg2[%add3A_189, %dma_start3A_190] : memref<16384x1024xf32, #tpu.memory_space<hbm>> -> memref<16x1024xf32, #tpu.memory_space<hbm>>
        %dma_start3A_192 = arith.constant 0 : i32
        %dma_start3A_193 = tpu.memref_slice %arg2[%add3A_189, %dma_start3A_192] : memref<16384x1024xf32, #tpu.memory_space<hbm>> -> memref<16x1024xf32, #tpu.memory_space<hbm>>
        tpu.enqueue_dma source(%dma_start3A_193 : memref<16x1024xf32, #tpu.memory_space<hbm>>) target(%arg9 : memref<16x1024xf32, #tpu.memory_space<vmem>>) target_semaphore(%arg13 : memref<!tpu.dma_semaphore, #tpu.memory_space<semaphore_mem>>)
      } else {
      }
      %dma_wait3A_162 = arith.constant 0 : i32
      %dma_wait3A_163 = tpu.memref_slice %arg2[%mul3A_2, %dma_wait3A_162] : memref<16384x1024xf32, #tpu.memory_space<hbm>> -> memref<16x1024xf32, #tpu.memory_space<hbm>>
      %dma_wait3A_164 = arith.constant 0 : i32
      %dma_wait3A_165 = tpu.memref_slice %arg2[%mul3A_2, %dma_wait3A_164] : memref<16384x1024xf32, #tpu.memory_space<hbm>> -> memref<16x1024xf32, #tpu.memory_space<hbm>>
      tpu.wait_dma2 semaphore(%arg15 : memref<!tpu.dma_semaphore, #tpu.memory_space<semaphore_mem>>) src(%dma_wait3A_165 : memref<16x1024xf32, #tpu.memory_space<hbm>>) dst(%arg11 : memref<16x1024xf32, #tpu.memory_space<vmem>>)
      %mul3A_166 = arith.constant 16 : i32
      %mul3A_167 = arith.muli %add3A_151, %mul3A_166 : i32
      %scan3A_168 = arith.constant 0 : i32
      %scan3A_169 = arith.constant 0 : i32
      %scan3A_170 = arith.constant 16 : i32
      %scan3A_171 = arith.addi %scan3A_169, %scan3A_170 : i32
      %scan3A_172 = arith.constant 1 : i32
      scf.for %scan3A_181 = %scan3A_169 to %scan3A_171 step %scan3A_172  : i32 {
        %add3A_182 = arith.addi %mul3A_167, %scan3A_181 : i32
        %get3A = arith.index_cast %add3A_182 : i32 to index
        %get3A_183 = tpu.vector_load %arg6[%get3A] {strides = array<i32>} : memref<528xi32, #tpu.memory_space<vmem>>, vector<16xi32>,
        %slice3A = vector.extract_strided_slice %get3A_183 {offsets = [0], sizes = [1], strides = [1]} : vector<16xi32> to vector<1xi32>
        %squeeze3A = vector.extract %slice3A[0] : i32 from vector<1xi32>
        %mul3A_184 = arith.constant 1024 : i32
        %mul3A_185 = arith.muli %squeeze3A, %mul3A_184 : i32
        %parallel_loop3A = arith.constant 0 : i32
        %parallel_loop3A_186 = arith.constant 64 : i32
        %parallel_loop3A_187 = arith.constant 1 : i32
        scf.for %parallel_loop3A_188 = %parallel_loop3A to %parallel_loop3A_186 step %parallel_loop3A_187  : i32 {
          %parallel_loop3A_189 = arith.constant 16 : i32
          %parallel_loop3A_190 = arith.muli %parallel_loop3A_188, %parallel_loop3A_189 : i32
          %parallel_loop3A_191 = arith.constant 16 : i32
          %parallel_loop3A_192 = arith.muli %parallel_loop3A_188, %parallel_loop3A_191 : i32
          %parallel_loop3A_193 = arith.addi %mul3A_185, %parallel_loop3A_192 : i32
          %parallel_loop3A_194 = arith.index_cast %parallel_loop3A_193 : i32 to index
          %parallel_loop3A_195 = tpu.vector_load %arg7[%parallel_loop3A_194] {strides = array<i32>} : memref<2048xf32, #tpu.memory_space<vmem>>, vector<16xf32>,
          %parallel_loop3A_196 = arith.index_cast %scan3A_181 : i32 to index
          %parallel_loop3A_197 = arith.index_cast %parallel_loop3A_190 : i32 to index
          %parallel_loop3A_198 = tpu.vector_load %arg11[%parallel_loop3A_196, %parallel_loop3A_197] {strides = array<i32>} : memref<16x1024xf32, #tpu.memory_space<vmem>>, vector<16xf32>,
          tpu.vector_store %arg11[%parallel_loop3A_196, %parallel_loop3A_197], %parallel_loop3A_195 {add = true, strides = array<i32>} : memref<16x1024xf32, #tpu.memory_space<vmem>>, vector<16xf32>,
        } {sc.loop_unroll_factor = 16 : i64, sc.parallel_access}
      }
      %scan3A_173 = arith.constant 16 : i32
      %mul3A_174 = arith.constant 16 : i32
      %mul3A_175 = arith.muli %add3A_151, %mul3A_174 : i32
      %add3A_176 = arith.addi %mul3A_2, %mul3A_175 : i32
      %dma_start3A_177 = arith.constant 0 : i32
      %dma_start3A_178 = tpu.memref_slice %arg5[%add3A_176, %dma_start3A_177] : memref<16384x1024xf32, #tpu.memory_space<hbm>> -> memref<16x1024xf32, #tpu.memory_space<hbm>>
      %dma_start3A_179 = arith.constant 0 : i32
      %dma_start3A_180 = tpu.memref_slice %arg5[%add3A_176, %dma_start3A_179] : memref<16384x1024xf32, #tpu.memory_space<hbm>> -> memref<16x1024xf32, #tpu.memory_space<hbm>>
      tpu.enqueue_dma source(%arg11 : memref<16x1024xf32, #tpu.memory_space<vmem>>) target(%dma_start3A_180 : memref<16x1024xf32, #tpu.memory_space<hbm>>) target_semaphore(%arg19 : memref<!tpu.dma_semaphore, #tpu.memory_space<semaphore_mem>>)
    }
    %scan3A_40 = arith.constant 8 : i32
    %dma_wait3A_41 = arith.constant 0 : i32
    %dma_wait3A_42 = tpu.memref_slice %arg5[%mul3A_2, %dma_wait3A_41] : memref<16384x1024xf32, #tpu.memory_space<hbm>> -> memref<16x1024xf32, #tpu.memory_space<hbm>>
    %dma_wait3A_43 = arith.constant 0 : i32
    %dma_wait3A_44 = tpu.memref_slice %arg5[%mul3A_2, %dma_wait3A_43] : memref<16384x1024xf32, #tpu.memory_space<hbm>> -> memref<16x1024xf32, #tpu.memory_space<hbm>>
    tpu.wait_dma2 semaphore(%arg16 : memref<!tpu.dma_semaphore, #tpu.memory_space<semaphore_mem>>) src(%arg8 : memref<16x1024xf32, #tpu.memory_space<vmem>>) dst(%dma_wait3A_44 : memref<16x1024xf32, #tpu.memory_space<hbm>>)
    %dma_wait3A_45 = arith.constant 0 : i32
    %dma_wait3A_46 = tpu.memref_slice %arg5[%mul3A_2, %dma_wait3A_45] : memref<16384x1024xf32, #tpu.memory_space<hbm>> -> memref<16x1024xf32, #tpu.memory_space<hbm>>
    %dma_wait3A_47 = arith.constant 0 : i32
    %dma_wait3A_48 = tpu.memref_slice %arg5[%mul3A_2, %dma_wait3A_47] : memref<16384x1024xf32, #tpu.memory_space<hbm>> -> memref<16x1024xf32, #tpu.memory_space<hbm>>
    tpu.wait_dma2 semaphore(%arg17 : memref<!tpu.dma_semaphore, #tpu.memory_space<semaphore_mem>>) src(%arg9 : memref<16x1024xf32, #tpu.memory_space<vmem>>) dst(%dma_wait3A_48 : memref<16x1024xf32, #tpu.memory_space<hbm>>)
    %dma_wait3A_49 = arith.constant 0 : i32
    %dma_wait3A_50 = tpu.memref_slice %arg5[%mul3A_2, %dma_wait3A_49] : memref<16384x1024xf32, #tpu.memory_space<hbm>> -> memref<16x1024xf32, #tpu.memory_space<hbm>>
    %dma_wait3A_51 = arith.constant 0 : i32
    %dma_wait3A_52 = tpu.memref_slice %arg5[%mul3A_2, %dma_wait3A_51] : memref<16384x1024xf32, #tpu.memory_space<hbm>> -> memref<16x1024xf32, #tpu.memory_space<hbm>>
    tpu.wait_dma2 semaphore(%arg18 : memref<!tpu.dma_semaphore, #tpu.memory_space<semaphore_mem>>) src(%arg10 : memref<16x1024xf32, #tpu.memory_space<vmem>>) dst(%dma_wait3A_52 : memref<16x1024xf32, #tpu.memory_space<hbm>>)
    %dma_wait3A_53 = arith.constant 0 : i32
    %dma_wait3A_54 = tpu.memref_slice %arg5[%mul3A_2, %dma_wait3A_53] : memref<16384x1024xf32, #tpu.memory_space<hbm>> -> memref<16x1024xf32, #tpu.memory_space<hbm>>
    %dma_wait3A_55 = arith.constant 0 : i32
    %dma_wait3A_56 = tpu.memref_slice %arg5[%mul3A_2, %dma_wait3A_55] : memref<16384x1024xf32, #tpu.memory_space<hbm>> -> memref<16x1024xf32, #tpu.memory_space<hbm>>
    tpu.wait_dma2 semaphore(%arg19 : memref<!tpu.dma_semaphore, #tpu.memory_space<semaphore_mem>>) src(%arg11 : memref<16x1024xf32, #tpu.memory_space<vmem>>) dst(%dma_wait3A_56 : memref<16x1024xf32, #tpu.memory_space<hbm>>)
    return
  }
}

</mosaic_0001>

<sc_bundles>
// kernel: _run.3.cloned.1.call-start
scs
__scs_entry_jumppad:
0x0: {  	(pc) =	sbr.rel $0x88, $3  }
0x1: {  	(tag) =	ssettag $0x0;
	lr =	simm.s32 $0x1  }
0x2: {  	[smem:$0x3F9E] =	sst lr;
	_ =	strace $0xD0000000  }
0x3: {  	_ = 	snop  }
0x4: {  	_ = 	snop  }
0x5: {  	_ = 	snop  }
0x6: {  	_ = 	snop  }
0x7: {  	_ = 	snop  }
__scs_overlays_trampoline_lowered:
0x8: {  	[smem:$0x3FAD] =	sst s0  }
0x9: {  	[smem:$0x3FAE] =	sst s1  }
0xa: {  	[smem:$0x3FAF] =	sst s2  }
0xb: {  	[smem:$0x3FB0] =	sst s3  }
0xc: {  	[smem:$0x3FB1] =	sst s4  }
0xd: {  	[smem:$0x3FB2] =	sst s5  }
0xe: {  	[smem:$0x3FB3] =	sst s6  }
0xf: {  	[smem:$0x3FB4] =	sst s7  }
0x10: {  	[smem:$0x3FB5] =	sst s8  }
0x11: {  	[smem:$0x3FB6] =	sst s9;
	s0 =	simm.s32 @!p0 $0x0  }
0x12: {  	s1 =	sld [smem:$0x3F9C];
	s0 =	simm.s32 @p0 $0x1  }
0x13: {  	[smem:$0x3FB7] =	sst s0;
	s0 =	simm.s32 @!p1 $0x0  }
0x14: {  	s2 =	sld [smem:$0x3F9B];
	s0 =	simm.s32 @p1 $0x1  }
0x15: {  	[smem:$0x3FB8] =	sst s0;
	s0 =	simm.s32 @!p2 $0x0  }
0x16: {  	s3 =	sld [smem:$0x3FDB];
	s0 =	simm.s32 @p2 $0x1  }
0x17: {  	s4 =	simm.s32 $0x1BF5;
	[smem:$0x3FBA] =	sst s0  }
0x18: {  	s0 =	sld [smem:$0x3F9D];
	_ =	swait.ge [sflag:s4], $0x0  }
0x19: {  	s7 =	sld [smem:$0x3F9E]  }
0x1a: {  	s8 =	sadd.s32 $0xFFFFE003, lr  }
0x1b: {  	s9 =	sadd.s32 $0xFFFFFEF7, lr;
	s5 =	simm.s32 $0xFFFFFFFF;
	p2 =	slt.u32 s8, $0xFFFFF086  }
0x1c: {  	p1 =	slt.u32 s9, $0xF7A;
	s5 =	simm.s32 @!p2 $0x0  }
0x1d: {  	s5 =	simm.s32 @p1 $0x1;
	p0 =	seq.s32 s7, s2  }
0x1e: {  	s7 =	smul.u32 @!p0 $0xF7A, s2;
	p2 =	seq.s32 @!p0 s5, $0x0  }
0x1f: {  	s9 =	smul.u32 $0xF7A, s1;
	s8 =	simm.s32 @!p0 $0x1BF5;
	p2 =	por !p2, p0  }
0x20: {  	[sflag:s8] =	ssyncset.s32 @!p0 $0xFFFFF086;
	s6 =	sadd.s32 @!p0 s3, s7;
	s7 =	simm.s32 @!p0 $0x108  }
0x21: {  	s3 =	sadd.s32 s3, s9;
	s6 =	sadd.s32 @!p0 $0x88, s6;
	s7 =	simm.s32 @p2 $0x1082  }
0x22: {  	[simem:s7], [sflag:s8] =	dma.local @!p0 [hbm:s6], $0xF7A  }
0x23: {  	s9 =	sor.u32 $0xD0000000, s2;
	s6 =	simm.s32 $0x108;
	_ =	swait.ge @!p0 [sflag:s8], $0x0  }
0x24: {  	s3 =	sadd.s32 $0x88, s3;
	s6 =	simm.s32 @!p1 $0x1082;
	[sflag:s4] =	ssyncset.s32 $0xFFFFF086  }
0x25: {  	[simem:s6], [sflag:s4] =	dma.local [hbm:s3], $0xF7A  }
0x26: {  	[smem:$0x3F9E] =	sst s1;
	(tag) =	ssettag s2;
	_ =	strace s9  }
0x27: {  	s1 =	sld [smem:$0x3FAE]  }
0x28: {  	s2 =	sld [smem:$0x3FAF]  }
0x29: {  	s4 =	sld [smem:$0x3FB1]  }
0x2a: {  	p0 =	seq.s32 s5, $0x0;
	s5 =	sld [smem:$0x3FB2]  }
0x2b: {  	s6 =	sld [smem:$0x3FB3]  }
0x2c: {  	s7 =	sld [smem:$0x3FB4]  }
0x2d: {  	s3 =	simm.s32 $0x108;
	s8 =	sld [smem:$0x3FB5]  }
0x2e: {  	s3 =	simm.s32 @!p0 $0x1082;
	s9 =	sld [smem:$0x3FB6]  }
0x2f: {  	lr =	sadd.s32 s0, s3;
	s0 =	sld [smem:$0x3FAD]  }
0x30: {  	s3 =	sld [smem:$0x3FB0]  }
0x31: {  	[smem:$0x3FB9] =	sst s10  }
0x32: {  	s10 =	sld [smem:$0x3FB7];
	_ =	sdelay $0x3  }
0x33: {  	p0 =	seq.s32 s10, $0x1;
	s10 =	sld [smem:$0x3FB9];
	_ =	sdelay $0x3  }
0x34: {  	[smem:$0x3FB9] =	sst s10  }
0x35: {  	s10 =	sld [smem:$0x3FB8];
	_ =	sdelay $0x3  }
0x36: {  	p1 =	seq.s32 s10, $0x1;
	s10 =	sld [smem:$0x3FB9];
	_ =	sdelay $0x3  }
0x37: {  	[smem:$0x3FB9] =	sst s10  }
0x38: {  	s10 =	sld [smem:$0x3FBA]  }
0x39: {  	_ = 	snop;
	(pc) =	sbr.ind lr, $3  }
0x3a: {  	_ = 	snop  }
0x3b: {  	_ = 	snop  }
0x3c: {  	p2 =	seq.s32 s10, $0x1;
	s10 =	sld [smem:$0x3FB9]  }
0x3d: {  	_ =	shalt  }
0x3e: {  	_ =	shalt  }
0x3f: {  	_ =	shalt  }
0x40: {  	_ =	shalt  }
0x41: {  	_ =	shalt  }
0x42: {  	_ =	shalt  }
0x43: {  	_ =	shalt  }
0x44: {  	_ =	shalt  }
0x45: {  	_ =	shalt  }
0x46: {  	_ =	shalt  }
0x47: {  	_ =	shalt  }
0x48: {  	_ =	shalt  }
0x49: {  	_ =	shalt  }
0x4a: {  	_ =	shalt  }
0x4b: {  	_ =	shalt  }
0x4c: {  	_ =	shalt  }
0x4d: {  	_ =	shalt  }
0x4e: {  	_ =	shalt  }
0x4f: {  	_ =	shalt  }
0x50: {  	_ =	shalt  }
0x51: {  	_ =	shalt  }
0x52: {  	_ =	shalt  }
0x53: {  	_ =	shalt  }
0x54: {  	_ =	shalt  }
0x55: {  	_ =	shalt  }
0x56: {  	_ =	shalt  }
0x57: {  	_ =	shalt  }
0x58: {  	_ =	shalt  }
0x59: {  	_ =	shalt  }
0x5a: {  	_ =	shalt  }
0x5b: {  	_ =	shalt  }
0x5c: {  	_ =	shalt  }
0x5d: {  	_ =	shalt  }
0x5e: {  	_ =	shalt  }
0x5f: {  	_ =	shalt  }
0x60: {  	_ =	shalt  }
0x61: {  	_ =	shalt  }
0x62: {  	_ =	shalt  }
0x63: {  	_ =	shalt  }
0x64: {  	_ =	shalt  }
0x65: {  	_ =	shalt  }
0x66: {  	_ =	shalt  }
0x67: {  	_ =	shalt  }
0x68: {  	_ =	shalt  }
0x69: {  	_ =	shalt  }
0x6a: {  	_ =	shalt  }
0x6b: {  	_ =	shalt  }
0x6c: {  	_ =	shalt  }
0x6d: {  	_ =	shalt  }
0x6e: {  	_ =	shalt  }
0x6f: {  	_ =	shalt  }
0x70: {  	_ =	shalt  }
0x71: {  	_ =	shalt  }
0x72: {  	_ =	shalt  }
0x73: {  	_ =	shalt  }
0x74: {  	_ =	shalt  }
0x75: {  	_ =	shalt  }
0x76: {  	_ =	shalt  }
0x77: {  	_ =	shalt  }
0x78: {  	_ =	shalt  }
0x79: {  	_ =	shalt  }
0x7a: {  	_ =	shalt  }
0x7b: {  	_ =	shalt  }
0x7c: {  	_ =	shalt  }
0x7d: {  	_ =	shalt  }
0x7e: {  	_ =	shalt  }
0x7f: {  	_ =	shalt  }
0x80: {  	_ =	shalt  }
0x81: {  	_ =	shalt  }
0x82: {  	_ =	shalt  }
0x83: {  	_ =	shalt  }
0x84: {  	_ =	shalt  }
0x85: {  	_ =	shalt  }
0x86: {  	_ =	shalt  }
0x87: {  	_ =	shalt  }
.Lfunc_end0:
.L_simem_size_0:
called_computation_lowered:
.L_overlay_start_0:
0x88: {  	s2 =	sld [smem:$0x3FD9]  }
0x89: {  	s3 =	sld [smem:$0x3FFE];
	_ =	sdelay $0x1  }
0x8a: {  	s1 =	srdreg.scid  }
0x8b: {  	s0 =	sand.u32 $0x1, s1  }
0x8c: {  	s18 =	sshll.u32 s0, $0xA;
	s2 =	sadd.s32 s3, s2  }
0x8d: {  	s2 =	sadd.s32 s2, s18  }
0x8e: {  	[smem:$0x3FC5] =	sst s2  }
0x8f: {  	_ = 	snop  }
0x90: {  	s2 =	sld [smem:$0x3FC9]  }
0x91: {  	s19 =	sld [smem:$0x3FC8]  }
0x92: {  	s4 =	sld [smem:$0x3FC7]  }
0x93: {  	s5 =	sld [smem:$0x3FD0];
	(tm) =	ssettm $0x1  }
0x94: {  	s6 =	sld [smem:$0x3FFB];
	_ =	sdelay $0x3  }
0x95: {  	_ =	strace s6  }
0x96: {  	s6 =	sld [smem:$0x3FFC];
	_ =	sdelay $0x3  }
0x97: {  	_ =	strace s6  }
0x98: {  	s6 =	sld [smem:$0x3FFD];
	_ =	sdelay $0x3  }
0x99: {  	_ =	strace s6  }
0x9a: {  	_ =	strace $0x8FFFFFFF  }
0x9b: {  	s20 =	sld [smem:$0x3FDB];
	_ =	sdelay $0x1  }
0x9c: {  	s7 =	simm.s32 $_scs_section_size  }
0x9d: {  	s8 =	simm.s32 $_size__tile_overlayer_lowered;
	s9 =	simm.s32 $_tile_overlayer_lowered  }
0x9e: {  	s23 =	simm.s32 $0x1BFF;
	s22 =	sshll.u32 s9, $0x1;
	s6 =	sadd.s32 s7, s20  }
0x9f: {  	s10 =	simm.s32 $0x0;
	s21 =	sshll.u32 s8, $0x1;
	s8 =	sadd.s32 s22, s6  }
0xa0: {  	[timem:s10], [sflag:s23] =	dma.local [hbm:s8], s21  }
0xa1: {  	_ =	swait.ge [sflag:s23], s21  }
0xa2: {  	s7 =	ssub.s32 $0x0, s21;
	[sflag:s23] =	ssyncset.done $0x0  }
0xa3: {  	[sflag:s23] =	ssyncadd.s32 s7;
	_ =	sdelay $0x1  }
0xa4: {  	s24 =	simm.s32 $0x1B8B  }
0xa5: {  	_ =	swait.ge [sflag:s24], $0x1  }
0xa6: {  	[sflag:s24] =	ssyncset.done $0x0  }
0xa7: {  	s25 =	simm.s32 $0x1B8E;
	[sflag:s24] =	ssyncadd.s32 $0xFFFFFFFF  }
0xa8: {  	s26 =	simm.s32 $execute0_lowered;
	[smem:$0x3FD2] =	sst s25  }
0xa9: {  	s7 =	sshll.u32 s26, $0x1;
	_ =	strace $0x80000046;
	[dreg:$0x1] =	wrdreg $0xFFFFFFFF  }
0xaa: {  	s28 =	simm.s32 $_size_execute0_lowered;
	s6 =	sadd.s32 s6, s7;
	[dreg:$0x0] =	wrdreg $0x0  }
0xab: {  	s7 =	sshll.u32 s28, $0x1;
	[dreg:$0x2] =	wrdreg s6  }
0xac: {  	[dreg:$0x3] =	wrdreg s7  }
0xad: {  	[dreg:$0x4] =	wrdreg $0xC0  }
0xae: {  	_ =	task [dreg:s10], $0x5FFFF  }
0xaf: {  	[dreg:$0x1] =	wrdreg $0xFFFFFFFF  }
0xb0: {  	[dreg:$0x0] =	wrdreg $0x60  }
0xb1: {  	[dreg:$0x2] =	wrdreg s2  }
0xb2: {  	[dreg:$0x3] =	wrdreg s19  }
0xb3: {  	[dreg:$0x4] =	wrdreg s4  }
0xb4: {  	[dreg:$0x5] =	wrdreg s5  }
0xb5: {  	[dreg:$0x6] =	wrdreg $0x9  }
0xb6: {  	_ =	task.clear_ibuf [dreg:s10], $0x7FFFF;
	_ =	strace $0x90000046  }
0xb7: {  	s29 =	simm.s32 $0x9;
	_ =	strace $0x80000048  }
0xb8: {  	_ =	swait.ge [sflag:s29], $0x1  }
0xb9: {  	[sflag:s29] =	ssyncadd.s32 $0xFFFFFFFF  }
0xba: {  	_ =	strace $0x90000048  }
0xbb: {  	_ =	sfence  }
0xbc: {  	s30 =	sld [smem:$0x0];
	_ =	sdelay $0x2  }
0xbd: {  	s31 =	sshll.u32 s1, $0xD;
	s1 =	sshrl.u32 s1, $0x2  }
0xbe: {  	s3 =	sand.u32 $0x4000, s31;
	s1 =	sadd.s32 s1, s30  }
0xbf: {  	s0 =	sor.u32 s3, s0;
	s1 =	sshll.u32 s1, $0x11  }
0xc0: {  	s0 =	sor.u32 s1, s0  }
0xc1: {  	s0 =	sadd.s32 $0x8F2B, s0  }
0xc2: {  	[sflag:s0] =	ssyncadd.remote.s32 $0x1  }
0xc3: {  	_ =	sfence.sel $0xFFFF  }
0xc4: {  	[dreg:$0x0] =	wrdreg $0xFFFFFFFF;
	(pc) =	sbr.abs _section_cstart, $3  }
0xc5: {  	[dreg:$0x1] =	wrdreg $0xFFFFFFFF  }
0xc6: {  	_ =	task.clear_ibuf [dreg:s10], $0x2FFFF;
	_ =	strace $0x9FFFFFFF  }
0xc7: {  	(tm) =	ssettm $0x7FFFFFFF  }
tec
execute0_lowered:
.L_overlay_start_1:
0x0: {  	(tag) =	ssettag $0x1  }
0x1: {  	s0 =	rddreg [dreg:$0x0]  }
0x2: {  	s1 =	rddreg [dreg:$0x1]  }
0x3: {  	s2 =	srdreg.scid;
	s4 =	stileid.u32  }
0x4: {  	s3 =	rddreg [dreg:$0x3];
	s14 =	simm.s32 $0xA80;
	s15 =	simm.s32 $0x4A80  }
0x5: {  	s16 =	simm.s32 $0x8A80;
	s17 =	simm.s32 $0xCA80;
	s19 =	simm.s32 $0x9  }
0x6: {  	s20 =	simm.s32 $0x1;
	s21 =	simm.s32 $0x2;
	s22 =	simm.s32 $0x3  }
0x7: {  	s23 =	simm.s32 $0x4;
	s28 =	simm.s32 $0x8;
	s29 =	simm.s32 $0x0  }
0x8: {  	s2 =	sand.u32 $0x1, s2;
	s5 =	sshll.u32 s4, $0xA;
	s4 =	simm.s32 $0x0  }
0x9: {  	s6 =	sshll.u32 s2, $0x9;
	[smem:$0x7FF] =	sst s4;
	s2 =	ssub.s32 $0x2, s2  }
0xa: {  	s5 =	sor.u32 s6, s5;
	_ =	strace $0x80000047;
	s7 =	sshrl.u32 s2, $0x1  }
0xb: {  	s6 =	sshll.u32 s5, $0x7;
	s24 =	ssub.s32 s2, s7;
	s26 =	sshrl.u32 s5, $0x3  }
0xc: {  	s6 =	sadd.s32 s0, s6;
	s1 =	sadd.s32 s1, s26;
	s13 =	smax.u32 s24, $0x1  }
0xd: {  	s24 =	simm.s32 $0x5;
	s25 =	sadd.s32 $0x800, s6;
	[dreg:$0x8] =	wrdreg s1  }
0xe: {  	s26 =	simm.s32 $0x7;
	s30 =	sadd.s32 $0x1000, s6;
	[dreg:$0x5] =	wrdreg s25  }
0xf: {  	s31 =	sadd.s32 $0x1800, s6;
	s11 =	sadd.s32 $0x2000, s6;
	[dreg:$0x6] =	wrdreg s30  }
0x10: {  	s12 =	sadd.s32 $0x2800, s6;
	[dreg:$0x7] =	wrdreg s31;
	s25 =	simm.s32 $0x6  }
.LBB2_1:
0x11: {  	[tilespmem:s14], [sflag:$0x1] =	stream.linear.gather [hbm4b:s6+s4], $0x4000, $0x38;
	[tilespmem:$0x10A80] =	vst v63  }
0x12: {  	s0 =	rddreg [dreg:$0x5]  }
0x13: {  	[tilespmem:s15], [sflag:$0x2] =	stream.linear.gather [hbm4b:s0+s4], $0x4000, $0x38;
	[tilespmem:$0x10A80] =	vst v63  }
0x14: {  	s9 =	rddreg [dreg:$0x6]  }
0x15: {  	[tilespmem:s16], [sflag:$0x3] =	stream.linear.gather [hbm4b:s9+s4], $0x4000, $0x38;
	[tilespmem:$0x10A80] =	vst v63  }
0x16: {  	s10 =	rddreg [dreg:$0x7]  }
0x17: {  	[tilespmem:s17], [sflag:$0x4] =	stream.linear.gather [hbm4b:s10+s4], $0x4000, $0x38;
	[tilespmem:$0x10A80] =	vst v63  }
0x18: {  	s18 =	rddreg [dreg:$0x2];
	s1 =	simm.s32 $0x280  }
0x19: {  	[tilespmem:s1], [sflag:$0x9] =	stream.linear.gather [hbm4b:s18+s4], $0x800, $0x38;
	[tilespmem:$0x10A80] =	vst v63  }
0x1a: {  	s31 =	rddreg [dreg:$0x8]  }
0x1b: {  	[tilespmem:s4], [sflag:$0x9] =	stream.linear.gather [hbm4b:s31+s4], $0x200, $0x38;
	[tilespmem:$0x10A80] =	vst v63  }
0x1c: {  	_ =	swait.ge [sflag:s19], $0x800  }
0x1d: {  	[sflag:s19] =	ssyncset.done $0x0  }
0x1e: {  	[sflag:s19] =	ssyncadd.s32 $0xFFFFF800  }
0x1f: {  	_ =	swait.ge [sflag:s19], $0x200  }
0x20: {  	[sflag:s19] =	ssyncset.done $0x0  }
0x21: {  	s30 =	simm.s32 $0x0;
	[sflag:s19] =	ssyncadd.s32 $0xFFFFFE00  }
.LBB2_2:
0x22: {  	p0 =	seq.s32 s30, $0x0  }
0x23: {  	s0 =	simm.s32 @!p0 $0x7  }
0x24: {  	s1 =	sshll.u32 s30, $0x2;
	_ =	swait.ge @!p0 [sflag:s0], $0x4000  }
0x25: {  	s31 =	sor.u32 $0x2, s1;
	[sflag:s0] =	ssyncset.done @!p0 $0x0  }
0x26: {  	[sflag:s0] =	ssyncadd.s32 @!p0 $0xFFFFC000;
	s0 =	sshll.u32 @!p0 s31, $0xB  }
0x27: {  	s2 =	simm.s32 @!p0 $0x0;
	s7 =	simm.s32 @!p0 $0x8A80;
	s0 =	sadd.s32 @!p0 s0, s6  }
0x28: {  	[tilespmem:s7], [sflag:$0x3] =	stream.linear.gather @!p0 [hbm4b:s0+s2], $0x4000, $0x38;
	[tilespmem:$0x10A80] =	vst v63  }
0x29: {  	_ =	swait.ge [sflag:s20], $0x4000  }
0x2a: {  	s18 =	simm.s32 $0x0;
	s0 =	sshll.u32 s30, $0x6;
	[sflag:s20] =	ssyncset.done $0x0  }
0x2b: {  	s2 =	simm.s32 $0x0;
	s7 =	simm.s32 $0x0;
	v0 =	vmov s0;
	[sflag:s20] =	ssyncadd.s32 $0xFFFFC000  }
.LBB2_3:
0x2c: {  	_ =	sdelay $0x3  }
0x2d: {  	v1 =	vld.idx.msk [tilespmem:v0+s7+$0x0 ss:$0x1], $0xffff;
	_ =	sdelay $0x4  }
0x2e: {  	(v2sf) =	vpush v1, $0x0;
	_ =	sdelay $0xe  }
0x2f: {  	s8 =	spop (v2sf)  }
0x30: {  	s8 =	sshll.u32 s8, $0xC  }
0x31: {  	s8 =	sshra.s32 s8, $0x2  }
0x32: {  	s10 =	sor.u32 $0x300, s8  }
0x33: {  	v1 =	vld [tilespmem:s10+$0x70]  }
0x34: {  	v2 =	vld [tilespmem:s10+$0xFFFFFF90]  }
0x35: {  	v3 =	vld [tilespmem:s10+$0xFFFFFFA0]  }
0x36: {  	v4 =	vld [tilespmem:s10+$0xFFFFFFB0]  }
0x37: {  	v5 =	vld [tilespmem:s10+$0xFFFFFFC0]  }
0x38: {  	v6 =	vld [tilespmem:s10+$0xFFFFFFE0]  }
0x39: {  	v7 =	vld [tilespmem:s10+$0xFFFFFFF0]  }
0x3a: {  	v8 =	vld [tilespmem:s10+$0x0]  }
0x3b: {  	v9 =	vld [tilespmem:s10+$0x10]  }
0x3c: {  	v10 =	vld [tilespmem:s10+$0x20]  }
0x3d: {  	s9 =	sand.u32 $0x7, s2;
	s8 =	sshll.u32 s18, $0x2;
	v11 =	vld [tilespmem:s10+$0x30]  }
0x3e: {  	s9 =	sshll.u32 s9, $0x9;
	s8 =	sand.u32 $0xFFFF8000, s8;
	v12 =	vld [tilespmem:s10+$0x40]  }
0x3f: {  	v13 =	vld [tilespmem:s10+$0x50];
	s8 =	sor.u32 s9, s8  }
0x40: {  	v14 =	vld [tilespmem:s10+$0x60];
	s8 =	sshrl.u32 s8, $0x2  }
0x41: {  	v15 =	vld [tilespmem:s10+$0xFFFFFF80];
	s8 =	sadd.s32 $0xEF0, s8  }
0x42: {  	[tilespmem:s8+$0x0] =	vst.add.f32.msk $0xffff, v1  }
0x43: {  	v1 =	vld [tilespmem:s10+$0xFFFFFFD0]  }
0x44: {  	[tilespmem:s8+$0xFFFFFBA0] =	vst.add.f32.msk $0xffff, v2  }
0x45: {  	[tilespmem:s8+$0xFFFFFBB0] =	vst.add.f32.msk $0xffff, v3  }
0x46: {  	[tilespmem:s8+$0xFFFFFBC0] =	vst.add.f32.msk $0xffff, v4  }
0x47: {  	[tilespmem:s8+$0xFFFFFBD0] =	vst.add.f32.msk $0xffff, v5  }
0x48: {  	[tilespmem:s8+$0xFFFFFB90] =	vst.add.f32.msk $0xffff, v15  }
0x49: {  	[tilespmem:s8+$0xFFFFFBF0] =	vst.add.f32.msk $0xffff, v6  }
0x4a: {  	[tilespmem:s8+$0xFFFFFC00] =	vst.add.f32.msk $0xffff, v7  }
0x4b: {  	[tilespmem:s8+$0xFFFFFF90] =	vst.add.f32.msk $0xffff, v8  }
0x4c: {  	[tilespmem:s8+$0xFFFFFFA0] =	vst.add.f32.msk $0xffff, v9  }
0x4d: {  	[tilespmem:s8+$0xFFFFFFB0] =	vst.add.f32.msk $0xffff, v10  }
0x4e: {  	[tilespmem:s8+$0xFFFFFFC0] =	vst.add.f32.msk $0xffff, v11  }
0x4f: {  	[tilespmem:s8+$0xFFFFFFD0] =	vst.add.f32.msk $0xffff, v12  }
0x50: {  	[tilespmem:s8+$0xFFFFFFE0] =	vst.add.f32.msk $0xffff, v13  }
0x51: {  	[tilespmem:s8+$0xFFFFFFF0] =	vst.add.f32.msk $0xffff, v14  }
0x52: {  	s9 =	simm.s32 $0x0;
	s10 =	sadd.s32 $0x100, s10;
	[tilespmem:s8+$0xFFFFFBE0] =	vst.add.f32.msk $0xffff, v1  }
.LBB2_4:
0x53: {  	v1 =	vld [tilespmem:s10+$0x70];
	s9 =	sadd.s32 $0x10, s9  }
0x54: {  	v2 =	vld [tilespmem:s10+$0xFFFFFF90];
	p1 =	slt.u32 s9, $0x30  }
0x55: {  	v3 =	vld [tilespmem:s10+$0xFFFFFFA0]  }
0x56: {  	v4 =	vld [tilespmem:s10+$0xFFFFFFB0]  }
0x57: {  	s8 =	sadd.s32 $0x800, s8;
	v5 =	vld [tilespmem:s10+$0xFFFFFFC0]  }
0x58: {  	[tilespmem:s8+$0x0] =	vst.add.f32.msk $0xffff, v1  }
0x59: {  	v1 =	vld [tilespmem:s10+$0xFFFFFFD0]  }
0x5a: {  	v6 =	vld [tilespmem:s10+$0xFFFFFFE0]  }
0x5b: {  	v7 =	vld [tilespmem:s10+$0xFFFFFFF0]  }
0x5c: {  	v8 =	vld [tilespmem:s10+$0x0]  }
0x5d: {  	v9 =	vld [tilespmem:s10+$0x10]  }
0x5e: {  	v10 =	vld [tilespmem:s10+$0x20]  }
0x5f: {  	v11 =	vld [tilespmem:s10+$0x30]  }
0x60: {  	v12 =	vld [tilespmem:s10+$0x40]  }
0x61: {  	v13 =	vld [tilespmem:s10+$0x50]  }
0x62: {  	v14 =	vld [tilespmem:s10+$0x60]  }
0x63: {  	v15 =	vld [tilespmem:s10+$0xFFFFFF80]  }
0x64: {  	[tilespmem:s8+$0xFFFFFBA0] =	vst.add.f32.msk $0xffff, v2  }
0x65: {  	[tilespmem:s8+$0xFFFFFBB0] =	vst.add.f32.msk $0xffff, v3  }
0x66: {  	[tilespmem:s8+$0xFFFFFBC0] =	vst.add.f32.msk $0xffff, v4  }
0x67: {  	[tilespmem:s8+$0xFFFFFBD0] =	vst.add.f32.msk $0xffff, v5  }
0x68: {  	[tilespmem:s8+$0xFFFFFB90] =	vst.add.f32.msk $0xffff, v15  }
0x69: {  	[tilespmem:s8+$0xFFFFFBE0] =	vst.add.f32.msk $0xffff, v1  }
0x6a: {  	[tilespmem:s8+$0xFFFFFBF0] =	vst.add.f32.msk $0xffff, v6  }
0x6b: {  	[tilespmem:s8+$0xFFFFFC00] =	vst.add.f32.msk $0xffff, v7  }
0x6c: {  	[tilespmem:s8+$0xFFFFFF90] =	vst.add.f32.msk $0xffff, v8  }
0x6d: {  	[tilespmem:s8+$0xFFFFFFA0] =	vst.add.f32.msk $0xffff, v9  }
.Ltmp0:
0x6e: {  	[tilespmem:s8+$0xFFFFFFB0] =	vst.add.f32.msk $0xffff, v10;
	(pc) =	sbr.rel @p1 .LBB2_4-.Ltmp0, $4  }
0x6f: {  	[tilespmem:s8+$0xFFFFFFC0] =	vst.add.f32.msk $0xffff, v11  }
0x70: {  	[tilespmem:s8+$0xFFFFFFD0] =	vst.add.f32.msk $0xffff, v12  }
0x71: {  	[tilespmem:s8+$0xFFFFFFE0] =	vst.add.f32.msk $0xffff, v13  }
0x72: {  	s10 =	sadd.s32 $0x100, s10;
	[tilespmem:s8+$0xFFFFFFF0] =	vst.add.f32.msk $0xffff, v14  }
0x73: {  	s7 =	sadd.s32 $0x1, s7  }
0x74: {  	p1 =	sne.s32 s7, $0x10  }
.Ltmp1:
0x75: {  	_ = 	snop;
	(pc) =	sbr.rel @p1 .LBB2_3-.Ltmp1, $2  }
0x76: {  	_ =	sdelay $0x2  }
0x77: {  	s18 =	sadd.s32 $0x400, s18;
	s2 =	sadd.s32 $0x1, s2  }
0x78: {  	s2 =	sadd.s32 s5, s0  }
0x79: {  	s2 =	sshll.u32 s2, $0x7  }
0x7a: {  	s2 =	sadd.s32 s3, s2  }
0x7b: {  	[hbm4b:s2+s4] =	stream.linear.scatter [tilespmem:s14], [sflag:$0x5], $0x4000, $0x38;
	[tilespmem:$0x10A80] =	vst v63  }
0x7c: {  	s2 =	simm.s32 @!p0 $0x8  }
0x7d: {  	_ =	swait.ge @!p0 [sflag:s2], $0x4000  }
0x7e: {  	s1 =	sor.u32 $0x3, s1;
	[sflag:s2] =	ssyncset.done @!p0 $0x0  }
0x7f: {  	[sflag:s2] =	ssyncadd.s32 @!p0 $0xFFFFC000;
	s2 =	sshll.u32 @!p0 s1, $0xB  }
0x80: {  	s7 =	simm.s32 @!p0 $0x0;
	s8 =	simm.s32 @!p0 $0xCA80;
	s2 =	sadd.s32 @!p0 s2, s6  }
0x81: {  	[tilespmem:s8], [sflag:$0x4] =	stream.linear.gather @!p0 [hbm4b:s2+s7], $0x4000, $0x38;
	[tilespmem:$0x10A80] =	vst v63  }
0x82: {  	_ =	swait.ge [sflag:s21], $0x4000  }
0x83: {  	s0 =	sor.u32 $0x10, s0;
	s18 =	simm.s32 $0x0;
	[sflag:s21] =	ssyncset.done $0x0  }
0x84: {  	v0 =	vmov s0;
	s2 =	simm.s32 $0x0;
	s7 =	simm.s32 $0x0;
	[sflag:s21] =	ssyncadd.s32 $0xFFFFC000  }
.LBB2_7:
0x85: {  	_ =	sdelay $0x3  }
0x86: {  	v1 =	vld.idx.msk [tilespmem:v0+s7+$0x0 ss:$0x1], $0xffff;
	_ =	sdelay $0x4  }
0x87: {  	(v2sf) =	vpush v1, $0x0;
	_ =	sdelay $0xe  }
0x88: {  	s8 =	spop (v2sf)  }
0x89: {  	s8 =	sshll.u32 s8, $0xC  }
0x8a: {  	s8 =	sshra.s32 s8, $0x2  }
0x8b: {  	s10 =	sor.u32 $0x300, s8  }
0x8c: {  	v1 =	vld [tilespmem:s10+$0x70]  }
0x8d: {  	v2 =	vld [tilespmem:s10+$0xFFFFFF90]  }
0x8e: {  	v3 =	vld [tilespmem:s10+$0xFFFFFFA0]  }
0x8f: {  	v4 =	vld [tilespmem:s10+$0xFFFFFFB0]  }
0x90: {  	v5 =	vld [tilespmem:s10+$0xFFFFFFC0]  }
0x91: {  	v6 =	vld [tilespmem:s10+$0xFFFFFFE0]  }
0x92: {  	v7 =	vld [tilespmem:s10+$0xFFFFFFF0]  }
0x93: {  	v8 =	vld [tilespmem:s10+$0x0]  }
0x94: {  	v9 =	vld [tilespmem:s10+$0x10]  }
0x95: {  	v10 =	vld [tilespmem:s10+$0x20]  }
0x96: {  	s9 =	sand.u32 $0x7, s2;
	s8 =	sshll.u32 s18, $0x2;
	v11 =	vld [tilespmem:s10+$0x30]  }
0x97: {  	s9 =	sshll.u32 s9, $0x9;
	s8 =	sand.u32 $0xFFFF8000, s8;
	v12 =	vld [tilespmem:s10+$0x40]  }
0x98: {  	v13 =	vld [tilespmem:s10+$0x50];
	s8 =	sor.u32 s9, s8  }
0x99: {  	v14 =	vld [tilespmem:s10+$0x60];
	s8 =	sshrl.u32 s8, $0x2  }
0x9a: {  	v15 =	vld [tilespmem:s10+$0xFFFFFF80];
	s8 =	sadd.s32 $0x4EF0, s8  }
0x9b: {  	[tilespmem:s8+$0x0] =	vst.add.f32.msk $0xffff, v1  }
0x9c: {  	v1 =	vld [tilespmem:s10+$0xFFFFFFD0]  }
0x9d: {  	[tilespmem:s8+$0xFFFFFBA0] =	vst.add.f32.msk $0xffff, v2  }
0x9e: {  	[tilespmem:s8+$0xFFFFFBB0] =	vst.add.f32.msk $0xffff, v3  }
0x9f: {  	[tilespmem:s8+$0xFFFFFBC0] =	vst.add.f32.msk $0xffff, v4  }
0xa0: {  	[tilespmem:s8+$0xFFFFFBD0] =	vst.add.f32.msk $0xffff, v5  }
0xa1: {  	[tilespmem:s8+$0xFFFFFB90] =	vst.add.f32.msk $0xffff, v15  }
0xa2: {  	[tilespmem:s8+$0xFFFFFBF0] =	vst.add.f32.msk $0xffff, v6  }
0xa3: {  	[tilespmem:s8+$0xFFFFFC00] =	vst.add.f32.msk $0xffff, v7  }
0xa4: {  	[tilespmem:s8+$0xFFFFFF90] =	vst.add.f32.msk $0xffff, v8  }
0xa5: {  	[tilespmem:s8+$0xFFFFFFA0] =	vst.add.f32.msk $0xffff, v9  }
0xa6: {  	[tilespmem:s8+$0xFFFFFFB0] =	vst.add.f32.msk $0xffff, v10  }
0xa7: {  	[tilespmem:s8+$0xFFFFFFC0] =	vst.add.f32.msk $0xffff, v11  }
0xa8: {  	[tilespmem:s8+$0xFFFFFFD0] =	vst.add.f32.msk $0xffff, v12  }
0xa9: {  	[tilespmem:s8+$0xFFFFFFE0] =	vst.add.f32.msk $0xffff, v13  }
0xaa: {  	[tilespmem:s8+$0xFFFFFFF0] =	vst.add.f32.msk $0xffff, v14  }
0xab: {  	s9 =	simm.s32 $0x0;
	s10 =	sadd.s32 $0x100, s10;
	[tilespmem:s8+$0xFFFFFBE0] =	vst.add.f32.msk $0xffff, v1  }
.LBB2_8:
0xac: {  	v1 =	vld [tilespmem:s10+$0x70];
	s9 =	sadd.s32 $0x10, s9  }
0xad: {  	v2 =	vld [tilespmem:s10+$0xFFFFFF90];
	p0 =	slt.u32 s9, $0x30  }
0xae: {  	v3 =	vld [tilespmem:s10+$0xFFFFFFA0]  }
0xaf: {  	v4 =	vld [tilespmem:s10+$0xFFFFFFB0]  }
0xb0: {  	s8 =	sadd.s32 $0x800, s8;
	v5 =	vld [tilespmem:s10+$0xFFFFFFC0]  }
0xb1: {  	[tilespmem:s8+$0x0] =	vst.add.f32.msk $0xffff, v1  }
0xb2: {  	v1 =	vld [tilespmem:s10+$0xFFFFFFD0]  }
0xb3: {  	v6 =	vld [tilespmem:s10+$0xFFFFFFE0]  }
0xb4: {  	v7 =	vld [tilespmem:s10+$0xFFFFFFF0]  }
0xb5: {  	v8 =	vld [tilespmem:s10+$0x0]  }
0xb6: {  	v9 =	vld [tilespmem:s10+$0x10]  }
0xb7: {  	v10 =	vld [tilespmem:s10+$0x20]  }
0xb8: {  	v11 =	vld [tilespmem:s10+$0x30]  }
0xb9: {  	v12 =	vld [tilespmem:s10+$0x40]  }
0xba: {  	v13 =	vld [tilespmem:s10+$0x50]  }
0xbb: {  	v14 =	vld [tilespmem:s10+$0x60]  }
0xbc: {  	v15 =	vld [tilespmem:s10+$0xFFFFFF80]  }
0xbd: {  	[tilespmem:s8+$0xFFFFFBA0] =	vst.add.f32.msk $0xffff, v2  }
0xbe: {  	[tilespmem:s8+$0xFFFFFBB0] =	vst.add.f32.msk $0xffff, v3  }
0xbf: {  	[tilespmem:s8+$0xFFFFFBC0] =	vst.add.f32.msk $0xffff, v4  }
0xc0: {  	[tilespmem:s8+$0xFFFFFBD0] =	vst.add.f32.msk $0xffff, v5  }
0xc1: {  	[tilespmem:s8+$0xFFFFFB90] =	vst.add.f32.msk $0xffff, v15  }
0xc2: {  	[tilespmem:s8+$0xFFFFFBE0] =	vst.add.f32.msk $0xffff, v1  }
0xc3: {  	[tilespmem:s8+$0xFFFFFBF0] =	vst.add.f32.msk $0xffff, v6  }
0xc4: {  	[tilespmem:s8+$0xFFFFFC00] =	vst.add.f32.msk $0xffff, v7  }
0xc5: {  	[tilespmem:s8+$0xFFFFFF90] =	vst.add.f32.msk $0xffff, v8  }
0xc6: {  	[tilespmem:s8+$0xFFFFFFA0] =	vst.add.f32.msk $0xffff, v9  }
.Ltmp2:
0xc7: {  	[tilespmem:s8+$0xFFFFFFB0] =	vst.add.f32.msk $0xffff, v10;
	(pc) =	sbr.rel @p0 .LBB2_8-.Ltmp2, $4  }
0xc8: {  	[tilespmem:s8+$0xFFFFFFC0] =	vst.add.f32.msk $0xffff, v11  }
0xc9: {  	[tilespmem:s8+$0xFFFFFFD0] =	vst.add.f32.msk $0xffff, v12  }
0xca: {  	[tilespmem:s8+$0xFFFFFFE0] =	vst.add.f32.msk $0xffff, v13  }
0xcb: {  	s10 =	sadd.s32 $0x100, s10;
	[tilespmem:s8+$0xFFFFFFF0] =	vst.add.f32.msk $0xffff, v14  }
0xcc: {  	s7 =	sadd.s32 $0x1, s7  }
0xcd: {  	p0 =	sne.s32 s7, $0x10  }
.Ltmp3:
0xce: {  	_ = 	snop;
	(pc) =	sbr.rel @p0 .LBB2_7-.Ltmp3, $2  }
0xcf: {  	_ =	sdelay $0x2  }
0xd0: {  	s18 =	sadd.s32 $0x400, s18;
	s2 =	sadd.s32 $0x1, s2  }
0xd1: {  	s0 =	sadd.s32 s5, s0  }
0xd2: {  	s0 =	sshll.u32 s0, $0x7  }
0xd3: {  	p0 =	seq.s32 s30, $0x7;
	s0 =	sadd.s32 s3, s0  }
0xd4: {  	[hbm4b:s0+s4] =	stream.linear.scatter [tilespmem:s15], [sflag:$0x6], $0x4000, $0x38;
	[tilespmem:$0x10A80] =	vst v63  }
0xd5: {  	s0 =	simm.s32 @!p0 $0x5  }
0xd6: {  	_ =	swait.ge @!p0 [sflag:s0], $0x4000  }
0xd7: {  	[sflag:s0] =	ssyncset.done @!p0 $0x0  }
0xd8: {  	[sflag:s0] =	ssyncadd.s32 @!p0 $0xFFFFC000;
	s0 =	sshll.u32 @!p0 s30, $0xD  }
0xd9: {  	s7 =	simm.s32 @!p0 $0x0;
	s8 =	simm.s32 @!p0 $0xA80;
	s2 =	sadd.s32 @!p0 s0, s11  }
0xda: {  	[tilespmem:s8], [sflag:$0x1] =	stream.linear.gather @!p0 [hbm4b:s2+s7], $0x4000, $0x38;
	[tilespmem:$0x10A80] =	vst v63  }
0xdb: {  	_ =	swait.ge [sflag:s22], $0x4000  }
0xdc: {  	s31 =	sshll.u32 s31, $0x4;
	s18 =	simm.s32 $0x0;
	[sflag:s22] =	ssyncset.done $0x0  }
0xdd: {  	v0 =	vmov s31;
	s2 =	simm.s32 $0x0;
	s7 =	simm.s32 $0x0;
	[sflag:s22] =	ssyncadd.s32 $0xFFFFC000  }
.LBB2_11:
0xde: {  	_ =	sdelay $0x3  }
0xdf: {  	v1 =	vld.idx.msk [tilespmem:v0+s7+$0x0 ss:$0x1], $0xffff;
	_ =	sdelay $0x4  }
0xe0: {  	(v2sf) =	vpush v1, $0x0;
	_ =	sdelay $0xe  }
0xe1: {  	s8 =	spop (v2sf)  }
0xe2: {  	s8 =	sshll.u32 s8, $0xC  }
0xe3: {  	s8 =	sshra.s32 s8, $0x2  }
0xe4: {  	s10 =	sor.u32 $0x300, s8  }
0xe5: {  	v1 =	vld [tilespmem:s10+$0x70]  }
0xe6: {  	v2 =	vld [tilespmem:s10+$0xFFFFFF90]  }
0xe7: {  	v3 =	vld [tilespmem:s10+$0xFFFFFFA0]  }
0xe8: {  	v4 =	vld [tilespmem:s10+$0xFFFFFFB0]  }
0xe9: {  	v5 =	vld [tilespmem:s10+$0xFFFFFFC0]  }
0xea: {  	v6 =	vld [tilespmem:s10+$0xFFFFFFE0]  }
0xeb: {  	v7 =	vld [tilespmem:s10+$0xFFFFFFF0]  }
0xec: {  	v8 =	vld [tilespmem:s10+$0x0]  }
0xed: {  	v9 =	vld [tilespmem:s10+$0x10]  }
0xee: {  	v10 =	vld [tilespmem:s10+$0x20]  }
0xef: {  	s9 =	sand.u32 $0x7, s2;
	s8 =	sshll.u32 s18, $0x2;
	v11 =	vld [tilespmem:s10+$0x30]  }
0xf0: {  	s9 =	sshll.u32 s9, $0x9;
	s8 =	sand.u32 $0xFFFF8000, s8;
	v12 =	vld [tilespmem:s10+$0x40]  }
0xf1: {  	v13 =	vld [tilespmem:s10+$0x50];
	s8 =	sor.u32 s9, s8  }
0xf2: {  	v14 =	vld [tilespmem:s10+$0x60];
	s8 =	sshrl.u32 s8, $0x2  }
0xf3: {  	v15 =	vld [tilespmem:s10+$0xFFFFFF80];
	s8 =	sadd.s32 $0x8EF0, s8  }
0xf4: {  	[tilespmem:s8+$0x0] =	vst.add.f32.msk $0xffff, v1  }
0xf5: {  	v1 =	vld [tilespmem:s10+$0xFFFFFFD0]  }
0xf6: {  	[tilespmem:s8+$0xFFFFFBA0] =	vst.add.f32.msk $0xffff, v2  }
0xf7: {  	[tilespmem:s8+$0xFFFFFBB0] =	vst.add.f32.msk $0xffff, v3  }
0xf8: {  	[tilespmem:s8+$0xFFFFFBC0] =	vst.add.f32.msk $0xffff, v4  }
0xf9: {  	[tilespmem:s8+$0xFFFFFBD0] =	vst.add.f32.msk $0xffff, v5  }
0xfa: {  	[tilespmem:s8+$0xFFFFFB90] =	vst.add.f32.msk $0xffff, v15  }
0xfb: {  	[tilespmem:s8+$0xFFFFFBF0] =	vst.add.f32.msk $0xffff, v6  }
0xfc: {  	[tilespmem:s8+$0xFFFFFC00] =	vst.add.f32.msk $0xffff, v7  }
0xfd: {  	[tilespmem:s8+$0xFFFFFF90] =	vst.add.f32.msk $0xffff, v8  }
0xfe: {  	[tilespmem:s8+$0xFFFFFFA0] =	vst.add.f32.msk $0xffff, v9  }
0xff: {  	[tilespmem:s8+$0xFFFFFFB0] =	vst.add.f32.msk $0xffff, v10  }
0x100: {  	[tilespmem:s8+$0xFFFFFFC0] =	vst.add.f32.msk $0xffff, v11  }
0x101: {  	[tilespmem:s8+$0xFFFFFFD0] =	vst.add.f32.msk $0xffff, v12  }
0x102: {  	[tilespmem:s8+$0xFFFFFFE0] =	vst.add.f32.msk $0xffff, v13  }
0x103: {  	[tilespmem:s8+$0xFFFFFFF0] =	vst.add.f32.msk $0xffff, v14  }
0x104: {  	s9 =	simm.s32 $0x0;
	s10 =	sadd.s32 $0x100, s10;
	[tilespmem:s8+$0xFFFFFBE0] =	vst.add.f32.msk $0xffff, v1  }
.LBB2_12:
0x105: {  	v1 =	vld [tilespmem:s10+$0x70];
	s9 =	sadd.s32 $0x10, s9  }
0x106: {  	v2 =	vld [tilespmem:s10+$0xFFFFFF90];
	p1 =	slt.u32 s9, $0x30  }
0x107: {  	v3 =	vld [tilespmem:s10+$0xFFFFFFA0]  }
0x108: {  	v4 =	vld [tilespmem:s10+$0xFFFFFFB0]  }
0x109: {  	s8 =	sadd.s32 $0x800, s8;
	v5 =	vld [tilespmem:s10+$0xFFFFFFC0]  }
0x10a: {  	[tilespmem:s8+$0x0] =	vst.add.f32.msk $0xffff, v1  }
0x10b: {  	v1 =	vld [tilespmem:s10+$0xFFFFFFD0]  }
0x10c: {  	v6 =	vld [tilespmem:s10+$0xFFFFFFE0]  }
0x10d: {  	v7 =	vld [tilespmem:s10+$0xFFFFFFF0]  }
0x10e: {  	v8 =	vld [tilespmem:s10+$0x0]  }
0x10f: {  	v9 =	vld [tilespmem:s10+$0x10]  }
0x110: {  	v10 =	vld [tilespmem:s10+$0x20]  }
0x111: {  	v11 =	vld [tilespmem:s10+$0x30]  }
0x112: {  	v12 =	vld [tilespmem:s10+$0x40]  }
0x113: {  	v13 =	vld [tilespmem:s10+$0x50]  }
0x114: {  	v14 =	vld [tilespmem:s10+$0x60]  }
0x115: {  	v15 =	vld [tilespmem:s10+$0xFFFFFF80]  }
0x116: {  	[tilespmem:s8+$0xFFFFFBA0] =	vst.add.f32.msk $0xffff, v2  }
0x117: {  	[tilespmem:s8+$0xFFFFFBB0] =	vst.add.f32.msk $0xffff, v3  }
0x118: {  	[tilespmem:s8+$0xFFFFFBC0] =	vst.add.f32.msk $0xffff, v4  }
0x119: {  	[tilespmem:s8+$0xFFFFFBD0] =	vst.add.f32.msk $0xffff, v5  }
0x11a: {  	[tilespmem:s8+$0xFFFFFB90] =	vst.add.f32.msk $0xffff, v15  }
0x11b: {  	[tilespmem:s8+$0xFFFFFBE0] =	vst.add.f32.msk $0xffff, v1  }
0x11c: {  	[tilespmem:s8+$0xFFFFFBF0] =	vst.add.f32.msk $0xffff, v6  }
0x11d: {  	[tilespmem:s8+$0xFFFFFC00] =	vst.add.f32.msk $0xffff, v7  }
0x11e: {  	[tilespmem:s8+$0xFFFFFF90] =	vst.add.f32.msk $0xffff, v8  }
0x11f: {  	[tilespmem:s8+$0xFFFFFFA0] =	vst.add.f32.msk $0xffff, v9  }
.Ltmp4:
0x120: {  	[tilespmem:s8+$0xFFFFFFB0] =	vst.add.f32.msk $0xffff, v10;
	(pc) =	sbr.rel @p1 .LBB2_12-.Ltmp4, $4  }
0x121: {  	[tilespmem:s8+$0xFFFFFFC0] =	vst.add.f32.msk $0xffff, v11  }
0x122: {  	[tilespmem:s8+$0xFFFFFFD0] =	vst.add.f32.msk $0xffff, v12  }
0x123: {  	[tilespmem:s8+$0xFFFFFFE0] =	vst.add.f32.msk $0xffff, v13  }
0x124: {  	s10 =	sadd.s32 $0x100, s10;
	[tilespmem:s8+$0xFFFFFFF0] =	vst.add.f32.msk $0xffff, v14  }
0x125: {  	s7 =	sadd.s32 $0x1, s7  }
0x126: {  	p1 =	sne.s32 s7, $0x10  }
.Ltmp5:
0x127: {  	_ = 	snop;
	(pc) =	sbr.rel @p1 .LBB2_11-.Ltmp5, $2  }
0x128: {  	_ =	sdelay $0x2  }
0x129: {  	s18 =	sadd.s32 $0x400, s18;
	s2 =	sadd.s32 $0x1, s2  }
0x12a: {  	s2 =	sadd.s32 s5, s31  }
0x12b: {  	s2 =	sshll.u32 s2, $0x7  }
0x12c: {  	s2 =	sadd.s32 s3, s2  }
0x12d: {  	[hbm4b:s2+s4] =	stream.linear.scatter [tilespmem:s16], [sflag:$0x7], $0x4000, $0x38;
	[tilespmem:$0x10A80] =	vst v63  }
0x12e: {  	s2 =	simm.s32 @!p0 $0x6  }
0x12f: {  	_ =	swait.ge @!p0 [sflag:s2], $0x4000  }
0x130: {  	s0 =	sadd.s32 @!p0 s0, s12;
	[sflag:s2] =	ssyncset.done @!p0 $0x0  }
0x131: {  	s7 =	simm.s32 @!p0 $0x4A80;
	[sflag:s2] =	ssyncadd.s32 @!p0 $0xFFFFC000;
	s2 =	simm.s32 @!p0 $0x0  }
0x132: {  	[tilespmem:s7], [sflag:$0x2] =	stream.linear.gather @!p0 [hbm4b:s0+s2], $0x4000, $0x38;
	[tilespmem:$0x10A80] =	vst v63  }
0x133: {  	_ =	swait.ge [sflag:s23], $0x4000  }
0x134: {  	s0 =	sshll.u32 s1, $0x4;
	s1 =	simm.s32 $0x0;
	[sflag:s23] =	ssyncset.done $0x0  }
0x135: {  	s2 =	simm.s32 $0x0;
	s7 =	simm.s32 $0x0;
	v0 =	vmov s0;
	[sflag:s23] =	ssyncadd.s32 $0xFFFFC000  }
.LBB2_15:
0x136: {  	_ =	sdelay $0x3  }
0x137: {  	v1 =	vld.idx.msk [tilespmem:v0+s7+$0x0 ss:$0x1], $0xffff;
	_ =	sdelay $0x4  }
0x138: {  	(v2sf) =	vpush v1, $0x0;
	_ =	sdelay $0xe  }
0x139: {  	s8 =	spop (v2sf)  }
0x13a: {  	s8 =	sshll.u32 s8, $0xC  }
0x13b: {  	s8 =	sshra.s32 s8, $0x2  }
0x13c: {  	s10 =	sor.u32 $0x300, s8  }
0x13d: {  	v1 =	vld [tilespmem:s10+$0x70]  }
0x13e: {  	v2 =	vld [tilespmem:s10+$0xFFFFFF90]  }
0x13f: {  	v3 =	vld [tilespmem:s10+$0xFFFFFFA0]  }
0x140: {  	v4 =	vld [tilespmem:s10+$0xFFFFFFB0]  }
0x141: {  	v5 =	vld [tilespmem:s10+$0xFFFFFFC0]  }
0x142: {  	v6 =	vld [tilespmem:s10+$0xFFFFFFE0]  }
0x143: {  	v7 =	vld [tilespmem:s10+$0xFFFFFFF0]  }
0x144: {  	v8 =	vld [tilespmem:s10+$0x0]  }
0x145: {  	v9 =	vld [tilespmem:s10+$0x10]  }
0x146: {  	v10 =	vld [tilespmem:s10+$0x20]  }
0x147: {  	s31 =	sshll.u32 s2, $0x2;
	s9 =	sand.u32 $0x7, s1;
	v11 =	vld [tilespmem:s10+$0x30]  }
0x148: {  	s9 =	sshll.u32 s9, $0x9;
	s8 =	sand.u32 $0xFFFF8000, s31;
	v12 =	vld [tilespmem:s10+$0x40]  }
0x149: {  	s8 =	sor.u32 s9, s8;
	v13 =	vld [tilespmem:s10+$0x50]  }
0x14a: {  	v14 =	vld [tilespmem:s10+$0x60];
	s8 =	sshrl.u32 s8, $0x2  }
0x14b: {  	v15 =	vld [tilespmem:s10+$0xFFFFFF80];
	s8 =	sadd.s32 $0xCEF0, s8  }
0x14c: {  	[tilespmem:s8+$0x0] =	vst.add.f32.msk $0xffff, v1  }
0x14d: {  	v1 =	vld [tilespmem:s10+$0xFFFFFFD0]  }
0x14e: {  	[tilespmem:s8+$0xFFFFFBA0] =	vst.add.f32.msk $0xffff, v2  }
0x14f: {  	[tilespmem:s8+$0xFFFFFBB0] =	vst.add.f32.msk $0xffff, v3  }
0x150: {  	[tilespmem:s8+$0xFFFFFBC0] =	vst.add.f32.msk $0xffff, v4  }
0x151: {  	[tilespmem:s8+$0xFFFFFBD0] =	vst.add.f32.msk $0xffff, v5  }
0x152: {  	[tilespmem:s8+$0xFFFFFB90] =	vst.add.f32.msk $0xffff, v15  }
0x153: {  	[tilespmem:s8+$0xFFFFFBF0] =	vst.add.f32.msk $0xffff, v6  }
0x154: {  	[tilespmem:s8+$0xFFFFFC00] =	vst.add.f32.msk $0xffff, v7  }
0x155: {  	[tilespmem:s8+$0xFFFFFF90] =	vst.add.f32.msk $0xffff, v8  }
0x156: {  	[tilespmem:s8+$0xFFFFFFA0] =	vst.add.f32.msk $0xffff, v9  }
0x157: {  	[tilespmem:s8+$0xFFFFFFB0] =	vst.add.f32.msk $0xffff, v10  }
0x158: {  	[tilespmem:s8+$0xFFFFFFC0] =	vst.add.f32.msk $0xffff, v11  }
0x159: {  	[tilespmem:s8+$0xFFFFFFD0] =	vst.add.f32.msk $0xffff, v12  }
0x15a: {  	[tilespmem:s8+$0xFFFFFFE0] =	vst.add.f32.msk $0xffff, v13  }
0x15b: {  	[tilespmem:s8+$0xFFFFFFF0] =	vst.add.f32.msk $0xffff, v14  }
0x15c: {  	s9 =	simm.s32 $0x0;
	s10 =	sadd.s32 $0x100, s10;
	[tilespmem:s8+$0xFFFFFBE0] =	vst.add.f32.msk $0xffff, v1  }
.LBB2_16:
0x15d: {  	v1 =	vld [tilespmem:s10+$0x70];
	s9 =	sadd.s32 $0x10, s9  }
0x15e: {  	v2 =	vld [tilespmem:s10+$0xFFFFFF90];
	p0 =	slt.u32 s9, $0x30  }
0x15f: {  	v3 =	vld [tilespmem:s10+$0xFFFFFFA0]  }
0x160: {  	v4 =	vld [tilespmem:s10+$0xFFFFFFB0]  }
0x161: {  	s8 =	sadd.s32 $0x800, s8;
	v5 =	vld [tilespmem:s10+$0xFFFFFFC0]  }
0x162: {  	[tilespmem:s8+$0x0] =	vst.add.f32.msk $0xffff, v1  }
0x163: {  	v1 =	vld [tilespmem:s10+$0xFFFFFFD0]  }
0x164: {  	v6 =	vld [tilespmem:s10+$0xFFFFFFE0]  }
0x165: {  	v7 =	vld [tilespmem:s10+$0xFFFFFFF0]  }
0x166: {  	v8 =	vld [tilespmem:s10+$0x0]  }
0x167: {  	v9 =	vld [tilespmem:s10+$0x10]  }
0x168: {  	v10 =	vld [tilespmem:s10+$0x20]  }
0x169: {  	v11 =	vld [tilespmem:s10+$0x30]  }
0x16a: {  	v12 =	vld [tilespmem:s10+$0x40]  }
0x16b: {  	v13 =	vld [tilespmem:s10+$0x50]  }
0x16c: {  	v14 =	vld [tilespmem:s10+$0x60]  }
0x16d: {  	v15 =	vld [tilespmem:s10+$0xFFFFFF80]  }
0x16e: {  	[tilespmem:s8+$0xFFFFFBA0] =	vst.add.f32.msk $0xffff, v2  }
0x16f: {  	[tilespmem:s8+$0xFFFFFBB0] =	vst.add.f32.msk $0xffff, v3  }
0x170: {  	[tilespmem:s8+$0xFFFFFBC0] =	vst.add.f32.msk $0xffff, v4  }
0x171: {  	[tilespmem:s8+$0xFFFFFBD0] =	vst.add.f32.msk $0xffff, v5  }
0x172: {  	[tilespmem:s8+$0xFFFFFB90] =	vst.add.f32.msk $0xffff, v15  }
0x173: {  	[tilespmem:s8+$0xFFFFFBE0] =	vst.add.f32.msk $0xffff, v1  }
0x174: {  	[tilespmem:s8+$0xFFFFFBF0] =	vst.add.f32.msk $0xffff, v6  }
0x175: {  	[tilespmem:s8+$0xFFFFFC00] =	vst.add.f32.msk $0xffff, v7  }
0x176: {  	[tilespmem:s8+$0xFFFFFF90] =	vst.add.f32.msk $0xffff, v8  }
0x177: {  	[tilespmem:s8+$0xFFFFFFA0] =	vst.add.f32.msk $0xffff, v9  }
.Ltmp6:
0x178: {  	[tilespmem:s8+$0xFFFFFFB0] =	vst.add.f32.msk $0xffff, v10;
	(pc) =	sbr.rel @p0 .LBB2_16-.Ltmp6, $4  }
0x179: {  	[tilespmem:s8+$0xFFFFFFC0] =	vst.add.f32.msk $0xffff, v11  }
0x17a: {  	[tilespmem:s8+$0xFFFFFFD0] =	vst.add.f32.msk $0xffff, v12  }
0x17b: {  	[tilespmem:s8+$0xFFFFFFE0] =	vst.add.f32.msk $0xffff, v13  }
0x17c: {  	s10 =	sadd.s32 $0x100, s10;
	[tilespmem:s8+$0xFFFFFFF0] =	vst.add.f32.msk $0xffff, v14  }
0x17d: {  	s7 =	sadd.s32 $0x1, s7  }
0x17e: {  	p0 =	sne.s32 s7, $0x10  }
.Ltmp7:
0x17f: {  	_ = 	snop;
	(pc) =	sbr.rel @p0 .LBB2_15-.Ltmp7, $2  }
0x180: {  	_ =	sdelay $0x2  }
0x181: {  	s2 =	sadd.s32 $0x400, s2;
	s1 =	sadd.s32 $0x1, s1  }
0x182: {  	s30 =	sadd.s32 $0x1, s30  }
0x183: {  	p0 =	sne.s32 s30, $0x8  }
.Ltmp8:
0x184: {  	_ = 	snop;
	(pc) =	sbr.rel @p0 .LBB2_2-.Ltmp8, $4  }
0x185: {  	s0 =	sadd.s32 s5, s0  }
0x186: {  	s0 =	sshll.u32 s0, $0x7  }
0x187: {  	s0 =	sadd.s32 s3, s0  }
0x188: {  	[hbm4b:s0+s4] =	stream.linear.scatter [tilespmem:s17], [sflag:$0x8], $0x4000, $0x38;
	[tilespmem:$0x10A80] =	vst v63  }
0x189: {  	_ =	swait.ge [sflag:s24], $0x4000  }
0x18a: {  	[sflag:s24] =	ssyncset.done $0x0  }
0x18b: {  	[sflag:s24] =	ssyncadd.s32 $0xFFFFC000  }
0x18c: {  	_ =	swait.ge [sflag:s25], $0x4000  }
0x18d: {  	[sflag:s25] =	ssyncset.done $0x0  }
0x18e: {  	s29 =	sadd.s32 $0x1, s29;
	[sflag:s25] =	ssyncadd.s32 $0xFFFFC000  }
0x18f: {  	p0 =	sne.s32 s29, s13;
	_ =	swait.ge [sflag:s26], $0x4000  }
.Ltmp9:
0x190: {  	[sflag:s26] =	ssyncset.done $0x0;
	(pc) =	sbr.rel @p0 .LBB2_1-.Ltmp9, $4  }
0x191: {  	[sflag:s26] =	ssyncadd.s32 $0xFFFFC000  }
0x192: {  	_ =	swait.ge [sflag:s28], $0x4000  }
0x193: {  	[sflag:s28] =	ssyncset.done $0x0  }
0x194: {  	[sflag:s28] =	ssyncadd.s32 $0xFFFFC000  }
0x195: {  	_ =	sfence.sel $0x180000  }
0x196: {  	[bflag:$0x0] =	sbarrier.arrive $0xFFFF  }
0x197: {  	_ =	strace $0x90000047  }
0x198: {  	s0 =	stileid.u32;
	[bflag:$0x2] =	sbarrier.arrive $0xFFFF  }
0x199: {  	p0 =	sne.s32 s0, $0x0;
	s0 =	rddreg [dreg:$0x4]  }
0x19a: {  	s0 =	sadd.s32 @!p0 $0x100000, s0  }
0x19b: {  	[sflag:s0] =	ssyncadd.tile.s32 @!p0 $0x1;
	_ =	shalt  }
.Lfunc_end2:
_tile_overlayer_lowered:
.L_overlay_start_2:
0x19c: {  	(tag) =	ssettag $0x2  }
0x19d: {  	s0 =	rddreg [dreg:$0x0];
	s2 =	stileid.u32  }
0x19e: {  	s1 =	rddreg [dreg:$0x1];
	p0 =	sne.s32 s2, $0x0  }
0x19f: {  	s3 =	rddreg [dreg:$0x2];
	[bflag:$0x3] =	sbarrier.arrive $0xFFFF;
	s2 =	simm.s32 @!p0 $0x1C0A  }
0x1a0: {  	[timem:s3], [sflag:s2] =	dma.local @!p0 [hbm:s0], s1  }
0x1a1: {  	s0 =	simm.s32 @!p0 $0xA  }
0x1a2: {  	_ =	swait.ge @!p0 [sflag:s0], s1  }
0x1a3: {  	s1 =	ssub.s32 @!p0 $0x0, s1;
	[sflag:s0] =	ssyncset.done @!p0 $0x0  }
0x1a4: {  	[sflag:s0] =	ssyncadd.s32 @!p0 s1  }
0x1a5: {  	[bflag:$0x3] =	sbarrier.arrive $0xFFFF  }
0x1a6: {  	_ =	shalt  }

</sc_bundles>
